<compile_context>
chip_gen: v7x
topology: tpu7x:2x2x1
jax: 0.10.2.dev20260603
libtpu: 0.0.44.dev20260713+nightly
codegen_flags: <defaults>
</compile_context>

<pallas_src>
import functools

import jax
import jax.numpy as jnp
from jax import lax
from jax.experimental import pallas as pl
from jax.experimental.pallas import tpu as pltpu
from jax.experimental.pallas import tpu_sc as plsc

N_FIELDS = 26
K = 16
BATCH = 4096
FPAD = 32
DPAD = FPAD * K
NJ = DPAD // 128
HASH = 1000000

NC, NS = 2, 16
NW = NC * NS
BPW = BATCH // NW
NSTREAM = NJ * (BPW // K)
RPT = BPW * FPAD


NBLK = (HASH + 127) // 128
NFULL = NBLK - 1
SUP = 4
NSUP = NFULL // SUP
SPW = NSUP // NW
SCOLS = SUP * 128


def _sc_transpose(embT, tail2):
    mesh = plsc.VectorSubcoreMesh(core_axis_name="c", subcore_axis_name="s")

    @functools.partial(
        pl.kernel,
        mesh=mesh,
        out_type=jax.ShapeDtypeStruct((HASH // 8, 128), jnp.float32),
        scratch_types=[
            pltpu.VMEM((K, SCOLS), jnp.float32),
            pltpu.VMEM((K, SCOLS), jnp.float32),
            pltpu.VMEM((SUP * 16, 128), jnp.float32),
            pltpu.VMEM((SUP * 16, 128), jnp.float32),
            pltpu.SemaphoreType.DMA,
            pltpu.SemaphoreType.DMA,
            pltpu.SemaphoreType.DMA,
            pltpu.SemaphoreType.DMA,
        ],
        compiler_params=pltpu.CompilerParams(needs_layout_passes=False),
    )
    def k(embT_hbm, tail_hbm, out_hbm, inA, inB, outA, outB,
          semrA, semrB, semwA, semwB):
        wid = lax.axis_index("s") * NC + lax.axis_index("c")
        iota = lax.iota(jnp.int32, 16)

        def gsup(s):
            return jnp.where(s >= SPW, NSUP - 1, wid * SPW + s)

        def start_read(s, buf, sem):
            pltpu.async_copy(
                embT_hbm.at[:, pl.ds(gsup(s) * SCOLS, SCOLS)], buf, sem)

        def transpose(in_v, out_v):
            def jj_body(jj, colv):
                for u in range(8):
                    out_v[jj, pl.ds(u * 16, 16)] = plsc.load_gather(
                        in_v, [iota, colv])
                    colv = colv + 1
                return colv

            lax.fori_loop(0, SUP * 16, jj_body,
                          jnp.zeros((16,), jnp.int32))

        def start_write(s, buf, sem):
            pltpu.async_copy(
                buf, out_hbm.at[pl.ds(gsup(s) * (SUP * 16), SUP * 16)], sem)

        def drain(buf, sem):
            pltpu.make_async_copy(
                buf, out_hbm.at[pl.ds(0, SUP * 16)], sem).wait()

        nsup_here = jnp.where(wid == 0, SPW + 1, SPW)
        start_read(0, inA, semrA)

        def pair(p, _):
            sA, sB, sA2 = 2 * p, 2 * p + 1, 2 * p + 2

            @pl.when(sB < nsup_here)
            def _():
                start_read(sB, inB, semrB)
            pltpu.make_async_copy(embT_hbm.at[:, pl.ds(0, SCOLS)],
                                  inA, semrA).wait()
            @pl.when(p > 0)
            def _():
                drain(outA, semwA)
            transpose(inA, outA)
            start_write(sA, outA, semwA)

            @pl.when(sA2 < nsup_here)
            def _():
                start_read(sA2, inA, semrA)

            @pl.when(sB < nsup_here)
            def _():
                pltpu.make_async_copy(embT_hbm.at[:, pl.ds(0, SCOLS)],
                                      inB, semrB).wait()
                @pl.when(p > 0)
                def _():
                    drain(outB, semwB)
                transpose(inB, outB)
                start_write(sB, outB, semwB)
            return 0

        lax.fori_loop(0, (SPW + 2) // 2, pair, 0)
        drain(outA, semwA)
        drain(outB, semwB)

        @pl.when(wid == NW - 1)
        def _():
            pltpu.sync_copy(tail_hbm, inA.at[pl.ds(0, 8), pl.ds(0, 128)])
            pltpu.sync_copy(inA.at[pl.ds(0, 8), pl.ds(0, 128)],
                            out_hbm.at[pl.ds((HASH // 8) - 8, 8)])

    return k(embT, tail2)


def _sc_gather(xq3, xp3, emb_v, w1):
    mesh = plsc.VectorSubcoreMesh(core_axis_name="c", subcore_axis_name="s")

    @functools.partial(
        pl.kernel,
        mesh=mesh,
        out_type=[jax.ShapeDtypeStruct((BATCH * 8, K), jnp.float32)
                  for _ in range(NJ)]
        + [jax.ShapeDtypeStruct((BATCH, FPAD), jnp.float32)],
        scratch_types=[
            pltpu.VMEM((NSTREAM, 128), jnp.int32),
            pltpu.VMEM((BPW, FPAD), jnp.int32),
            pltpu.VMEM((RPT, K), jnp.float32),
            pltpu.VMEM((BPW, FPAD), jnp.float32),
            pltpu.SemaphoreType.DMA,
            pltpu.SemaphoreType.DMA,
        ],
        compiler_params=pltpu.CompilerParams(use_tc_tiling_on_sc=False),
    )
    def k(xq_hbm, xp_hbm, emb_hbm, w1_hbm, d0_out, d1_out, d2_out, d3_out,
          w1g_out, xq_v, xp_v, stag_v, w1r_v, sem_e, sem_w):
        wid = lax.axis_index("s") * NC + lax.axis_index("c")
        pltpu.sync_copy(xq_hbm.at[wid], xq_v)
        pltpu.sync_copy(xp_hbm.at[wid], xp_v)

        def fire_e(s, _):
            pltpu.async_copy(emb_hbm.at[xq_v.at[s]],
                             stag_v.at[pl.ds(s * 128, 128)], sem_e)
            return 0

        lax.fori_loop(0, NSTREAM, fire_e, 0)

        def fire_w(b, _):
            pltpu.async_copy(w1_hbm.at[xp_v.at[b]], w1r_v.at[b], sem_w)
            return 0

        lax.fori_loop(0, BPW, fire_w, 0)
        pltpu.make_async_copy(
            d0_out.at[pl.ds(0, RPT)], stag_v, sem_e).wait()
        pltpu.make_async_copy(
            w1g_out.at[pl.ds(0, BPW)], w1r_v, sem_w).wait()
        qb = wid * (8 * BPW)
        pltpu.sync_copy(stag_v.at[pl.ds(0, 1024)], d0_out.at[pl.ds(qb, 1024)])
        pltpu.sync_copy(stag_v.at[pl.ds(1024, 1024)], d1_out.at[pl.ds(qb, 1024)])
        pltpu.sync_copy(stag_v.at[pl.ds(2048, 1024)], d2_out.at[pl.ds(qb, 1024)])
        pltpu.sync_copy(stag_v.at[pl.ds(3072, 1024)], d3_out.at[pl.ds(qb, 1024)])
        pltpu.sync_copy(w1r_v, w1g_out.at[pl.ds(wid * BPW, BPW)])

    return k(xq3, xp3, emb_v, w1)


BM = 512


def _tc_body(d0_ref, d1_ref, d2_ref, d3_ref, w1g_ref, w0_ref, W1_ref, b1_ref,
             W2_ref, b2_ref, Wout_ref, S_ref, out_ref):
    lane = lax.broadcasted_iota(jnp.int32, (1, 128), 1)
    d3m = jnp.where(lane < 32, d3_ref[...], 0.0)
    d = jnp.concatenate(
        [d0_ref[...], d1_ref[...], d2_ref[...], d3m], axis=1
    )
    sumV = jnp.dot(d, S_ref[...], preferred_element_type=jnp.float32)
    s2 = jnp.sum(sumV * sumV, axis=1, keepdims=True)
    sq = jnp.sum(d * d, axis=1, keepdims=True)
    fm2 = (s2 - sq) * 0.5
    lane32 = lax.broadcasted_iota(jnp.int32, (1, FPAD), 1)
    w1m = jnp.where(lane32 < N_FIELDS, w1g_ref[...], 0.0)
    fm1 = jnp.sum(w1m, axis=1, keepdims=True)
    h = jnp.maximum(
        jnp.dot(d, W1_ref[...], preferred_element_type=jnp.float32)
        + b1_ref[...], 0.0)
    h = jnp.maximum(
        jnp.dot(h, W2_ref[...], preferred_element_type=jnp.float32)
        + b2_ref[...], 0.0)
    logit = (jnp.dot(h, Wout_ref[...], preferred_element_type=jnp.float32)
             + w0_ref[...] + fm1 + fm2)
    out_ref[...] = 1.0 / (1.0 + jnp.exp(-logit))


def _tc_mlp(d0, d1, d2, d3, w1g, w0, W1p, b1, W2, b2, Wout, S):
    h1 = W1p.shape[1]
    h2 = W2.shape[1]
    dspec = pl.BlockSpec((BM, 128), lambda i: (i, 0))
    return pl.pallas_call(
        _tc_body,
        grid=(BATCH // BM,),
        in_specs=[
            dspec, dspec, dspec, dspec,
            pl.BlockSpec((BM, FPAD), lambda i: (i, 0)),
            pl.BlockSpec((1, 1), lambda i: (0, 0)),
            pl.BlockSpec((DPAD, h1), lambda i: (0, 0)),
            pl.BlockSpec((1, h1), lambda i: (0, 0)),
            pl.BlockSpec((h1, h2), lambda i: (0, 0)),
            pl.BlockSpec((1, h2), lambda i: (0, 0)),
            pl.BlockSpec((h2, 1), lambda i: (0, 0)),
            pl.BlockSpec((DPAD, K), lambda i: (0, 0)),
        ],
        out_specs=pl.BlockSpec((BM, 1), lambda i: (i, 0)),
        out_shape=jax.ShapeDtypeStruct((BATCH, 1), jnp.float32),
    )(d0, d1, d2, d3, w1g, w0, W1p, b1, W2, b2, Wout, S)


def kernel(x, emb_v, w0, w1, W_h1, b_h1, W_h2, b_h2, W_out):
    pad = (jax.lax.broadcasted_iota(jnp.int32, (FPAD - N_FIELDS, BATCH), 0)
           + jax.lax.broadcasted_iota(jnp.int32, (FPAD - N_FIELDS, BATCH), 1)
           * 13) % HASH
    xpad = jnp.concatenate([x, pad], axis=0)
    xq3 = (xpad.reshape(NJ, 8, NW, 8, K)
           .transpose(2, 0, 3, 4, 1)
           .reshape(NW, NSTREAM, 128))
    xp3 = xpad.T.reshape(NW, BPW, FPAD)
    embL = _sc_transpose(emb_v.T, emb_v[HASH - 64:].reshape(8, 128))
    embL2 = embL.reshape(HASH, K)
    d0, d1, d2, d3, w1g = _sc_gather(xq3, xp3, embL2, w1.reshape(-1))
    d0 = d0.reshape(BATCH, 128)
    d1 = d1.reshape(BATCH, 128)
    d2 = d2.reshape(BATCH, 128)
    d3 = d3.reshape(BATCH, 128)
    W1f = W_h1.reshape(N_FIELDS, K, -1)
    W1p = jnp.zeros((FPAD, K, W_h1.shape[1]), jnp.float32).at[:N_FIELDS].set(
        W1f).reshape(DPAD, -1)
    S = jnp.zeros((FPAD, K, K), jnp.float32).at[:N_FIELDS].set(
        jnp.broadcast_to(jnp.eye(K, dtype=jnp.float32), (N_FIELDS, K, K))
    ).reshape(DPAD, K)
    return _tc_mlp(d0, d1, d2, d3, w1g, jnp.reshape(w0, (1, 1)), W1p,
                   b_h1.reshape(1, -1), W_h2, b_h2.reshape(1, -1), W_out, S)

# --- scband reference (transcript-rebuilt; emitter-appended) ---
"""Pipeline reference for scband-deep-fm-54597624266946 (READ-ONLY COPY).

The authoritative reference and input builder live on the scoring server;
editing this copy changes nothing except your own understanding.
"""

import jax, jax.numpy as jnp
import numpy as np

HASH_SIZE = 1000000
K = 16
N_FIELDS = 26
BATCH = 4096
HIDDEN = [400, 400]


def setup_inputs(seed: int = 0) -> dict:
    key = jax.random.key(seed)
    ks = jax.random.split(key, 12)
    x = jax.random.randint(ks[0], (N_FIELDS, BATCH), 0, HASH_SIZE, dtype=jnp.int64 if jax.config.jax_enable_x64 else jnp.int32).astype(jnp.int32)
    emb_v = jax.random.normal(ks[1], (HASH_SIZE, K), dtype=jnp.float32) * 0.01
    w0 = jax.random.normal(ks[2], (), dtype=jnp.float32) * 0.01
    w1 = jax.random.normal(ks[3], (HASH_SIZE, 1), dtype=jnp.float32) * 0.01
    d_in = N_FIELDS * K
    W_h1 = jax.random.normal(ks[4], (d_in, HIDDEN[0]), dtype=jnp.float32) * (1.0 / np.sqrt(d_in))
    b_h1 = jnp.zeros((HIDDEN[0],), dtype=jnp.float32)
    W_h2 = jax.random.normal(ks[5], (HIDDEN[0], HIDDEN[1]), dtype=jnp.float32) * (1.0 / np.sqrt(HIDDEN[0]))
    b_h2 = jnp.zeros((HIDDEN[1],), dtype=jnp.float32)
    W_out = jax.random.normal(ks[6], (HIDDEN[1], 1), dtype=jnp.float32) * (1.0 / np.sqrt(HIDDEN[1]))
    return {"x": x, "emb_v": emb_v, "w0": w0, "w1": w1, "W_h1": W_h1, "b_h1": b_h1, "W_h2": W_h2, "b_h2": b_h2, "W_out": W_out}


def reference(x, emb_v, w0, w1, W_h1, b_h1, W_h2, b_h2, W_out):
    # Embedding part: V = [embedding_lookup(emb_v, x_i) for x_i in x]
    V = jnp.take(emb_v, x, axis=0)  # [n_fields, B, k]
    # FM second-order term
    sum_then_sq = jnp.sum(jnp.square(jnp.sum(V, axis=0)), axis=1)  # [B]
    sq_then_sum = jnp.sum(jnp.sum(jnp.square(V), axis=0), axis=1)  # [B]
    fm2 = (sum_then_sq - sq_then_sum) / 2.0
    fm2 = fm2[:, None]  # [B, 1]
    # FM first-order term: sum over fields of w1 lookups
    fm1 = jnp.sum(jnp.take(w1, x, axis=0), axis=0)  # [B, 1]
    fm = w0 + fm1 + fm2
    # Deep part: concat field embeddings
    B = x.shape[1]
    deep_input = jnp.transpose(V, (1, 0, 2)).reshape(B, -1)  # [B, n_fields*k]
    h = jax.nn.relu(deep_input @ W_h1 + b_h1)
    h = jax.nn.relu(h @ W_h2 + b_h2)
    logit = h @ W_out + fm  # [B, 1]
    prob = jax.nn.sigmoid(logit)
    return prob

if __name__ == "__main__":
    import jax
    _d = setup_inputs()
    print(jax.jit(kernel)(*tuple(_d.values())))

</pallas_src>

<mosaic_0001>
#map = affine_map<(d0, d1) -> (0, 0)>
module attributes {stable_mosaic.version = 14 : i64} {
  func.func @k(%arg0: i32, %arg1: i32, %arg2: memref<16x1000000xf32, #tpu.memory_space<hbm>>, %arg3: memref<8x128xf32, #tpu.memory_space<hbm>>, %arg4: memref<125000x128xf32, #tpu.memory_space<hbm>>, %arg5: memref<16x512xf32, #tpu.memory_space<vmem>>, %arg6: memref<16x512xf32, #tpu.memory_space<vmem>>, %arg7: memref<64x128xf32, #tpu.memory_space<vmem>>, %arg8: memref<64x128xf32, #tpu.memory_space<vmem>>, %arg9: memref<!tpu.dma_semaphore, #tpu.memory_space<semaphore_mem>>, %arg10: memref<!tpu.dma_semaphore, #tpu.memory_space<semaphore_mem>>, %arg11: memref<!tpu.dma_semaphore, #tpu.memory_space<semaphore_mem>>, %arg12: memref<!tpu.dma_semaphore, #tpu.memory_space<semaphore_mem>>) attributes {dimension_semantics = [#tpu.dimension_semantics<core_parallel>, #tpu.dimension_semantics<subcore_parallel>], iteration_bounds = array<i64: 2, 16>, scalar_prefetch = 0 : i64, scratch_operands = 8 : i64, tpu.core_type = #tpu.core_type<sc_vector_subcore>, window_params = [{transform_indices = #map}, {transform_indices = #map}, {transform_indices = #map}]} {
    %mul3A = arith.constant 2 : i32
    %mul3A_0 = arith.muli %arg1, %mul3A : i32
    %add3A = arith.addi %mul3A_0, %arg0 : i32
    %iota3A = tpu.iota {dimensions = array<i32: 0>} : vector<16xi32>
    %eq3A = arith.constant 0 : i32
    %eq3A_1 = arith.cmpi eq, %add3A, %eq3A : i32
    %jit3A = arith.constant 62 : i32
    %jit3A_2 = arith.constant 61 : i32
    %select_n3A = arith.select %eq3A_1, %jit3A, %jit3A_2 : i32
    %mul3A_3 = arith.constant 61 : i32
    %mul3A_4 = arith.muli %add3A, %mul3A_3 : i32
    %add3A_5 = arith.constant 0 : i32
    %add3A_6 = arith.addi %mul3A_4, %add3A_5 : i32
    %jit3A_7 = arith.constant false
    %jit3A_8 = arith.constant 1952 : i32
    %select_n3A_9 = arith.select %jit3A_7, %jit3A_8, %add3A_6 : i32
    %mul3A_10 = arith.constant 512 : i32
    %mul3A_11 = arith.muli %select_n3A_9, %mul3A_10 : i32
    %dma_start3A = arith.constant 0 : i32
    %dma_start3A_12 = tpu.memref_slice %arg2[%dma_start3A, %mul3A_11] : memref<16x1000000xf32, #tpu.memory_space<hbm>> -> memref<16x512xf32, #tpu.memory_space<hbm>>
    %dma_start3A_13 = arith.constant 0 : i32
    %dma_start3A_14 = tpu.memref_slice %arg2[%dma_start3A_13, %mul3A_11] : memref<16x1000000xf32, #tpu.memory_space<hbm>> -> memref<16x512xf32, #tpu.memory_space<hbm>>
    tpu.enqueue_dma source(%dma_start3A_14 : memref<16x512xf32, #tpu.memory_space<hbm>>) target(%arg5 : memref<16x512xf32, #tpu.memory_space<vmem>>) target_semaphore(%arg9 : memref<!tpu.dma_semaphore, #tpu.memory_space<semaphore_mem>>)
    %scan3A = arith.constant 0 : i32
    %scan3A_15 = arith.constant 0 : i32
    %scan3A_16 = arith.constant 31 : i32
    %scan3A_17 = arith.addi %scan3A_15, %scan3A_16 : i32
    %scan3A_18 = arith.constant 1 : i32
    %scan3A_19 = scf.for %scan3A_35 = %scan3A_15 to %scan3A_17 step %scan3A_18 iter_args(%scan3A_36 = %scan3A) -> (i32)  : i32 {
      %mul3A_37 = arith.constant 2 : i32
      %mul3A_38 = arith.muli %mul3A_37, %scan3A_35 : i32
      %mul3A_39 = arith.constant 2 : i32
      %mul3A_40 = arith.muli %mul3A_39, %scan3A_35 : i32
      %add3A_41 = arith.constant 1 : i32
      %add3A_42 = arith.addi %mul3A_40, %add3A_41 : i32
      %mul3A_43 = arith.constant 2 : i32
      %mul3A_44 = arith.muli %mul3A_43, %scan3A_35 : i32
      %add3A_45 = arith.constant 2 : i32
      %add3A_46 = arith.addi %mul3A_44, %add3A_45 : i32
      %lt3A = arith.cmpi slt, %add3A_42, %select_n3A : i32
      %convert_element_type3A_47 = arith.extui %lt3A : i1 to i32
      %cond3A_48 = arith.constant 0 : i32
      %cond3A_49 = arith.cmpi ne, %convert_element_type3A_47, %cond3A_48 : i32
      scf.if %cond3A_49 {
        %ge3A_88 = arith.constant 61 : i32
        %ge3A_89 = arith.cmpi sge, %add3A_42, %ge3A_88 : i32
        %mul3A_90 = arith.constant 61 : i32
        %mul3A_91 = arith.muli %add3A, %mul3A_90 : i32
        %add3A_92 = arith.addi %mul3A_91, %add3A_42 : i32
        %jit3A_93 = arith.constant 1952 : i32
        %select_n3A_94 = arith.select %ge3A_89, %jit3A_93, %add3A_92 : i32
        %mul3A_95 = arith.constant 512 : i32
        %mul3A_96 = arith.muli %select_n3A_94, %mul3A_95 : i32
        %dma_start3A_97 = arith.constant 0 : i32
        %dma_start3A_98 = tpu.memref_slice %arg2[%dma_start3A_97, %mul3A_96] : memref<16x1000000xf32, #tpu.memory_space<hbm>> -> memref<16x512xf32, #tpu.memory_space<hbm>>
        %dma_start3A_99 = arith.constant 0 : i32
        %dma_start3A_100 = tpu.memref_slice %arg2[%dma_start3A_99, %mul3A_96] : memref<16x1000000xf32, #tpu.memory_space<hbm>> -> memref<16x512xf32, #tpu.memory_space<hbm>>
        tpu.enqueue_dma source(%dma_start3A_100 : memref<16x512xf32, #tpu.memory_space<hbm>>) target(%arg6 : memref<16x512xf32, #tpu.memory_space<vmem>>) target_semaphore(%arg10 : memref<!tpu.dma_semaphore, #tpu.memory_space<semaphore_mem>>)
      } else {
      }
      %dma_wait3A_50 = arith.constant 0 : i32
      %dma_wait3A_51 = arith.constant 0 : i32
      %dma_wait3A_52 = tpu.memref_slice %arg2[%dma_wait3A_50, %dma_wait3A_51] : memref<16x1000000xf32, #tpu.memory_space<hbm>> -> memref<16x512xf32, #tpu.memory_space<hbm>>
      %dma_wait3A_53 = arith.constant 0 : i32
      %dma_wait3A_54 = arith.constant 0 : i32
      %dma_wait3A_55 = tpu.memref_slice %arg2[%dma_wait3A_53, %dma_wait3A_54] : memref<16x1000000xf32, #tpu.memory_space<hbm>> -> memref<16x512xf32, #tpu.memory_space<hbm>>
      tpu.wait_dma2 semaphore(%arg9 : memref<!tpu.dma_semaphore, #tpu.memory_space<semaphore_mem>>) src(%dma_wait3A_55 : memref<16x512xf32, #tpu.memory_space<hbm>>) dst(%arg5 : memref<16x512xf32, #tpu.memory_space<vmem>>)
      %gt3A = arith.constant 0 : i32
      %gt3A_56 = arith.cmpi sgt, %scan3A_35, %gt3A : i32
      %convert_element_type3A_57 = arith.extui %gt3A_56 : i1 to i32
      %cond3A_58 = arith.constant 0 : i32
      %cond3A_59 = arith.cmpi ne, %convert_element_type3A_57, %cond3A_58 : i32
      scf.if %cond3A_59 {
        %dma_wait3A_88 = arith.constant 0 : i32
        %dma_wait3A_89 = arith.constant 0 : i32
        %dma_wait3A_90 = tpu.memref_slice %arg4[%dma_wait3A_88, %dma_wait3A_89] : memref<125000x128xf32, #tpu.memory_space<hbm>> -> memref<64x128xf32, #tpu.memory_space<hbm>>
        %dma_wait3A_91 = arith.constant 0 : i32
        %dma_wait3A_92 = arith.constant 0 : i32
        %dma_wait3A_93 = tpu.memref_slice %arg4[%dma_wait3A_91, %dma_wait3A_92] : memref<125000x128xf32, #tpu.memory_space<hbm>> -> memref<64x128xf32, #tpu.memory_space<hbm>>
        tpu.wait_dma2 semaphore(%arg11 : memref<!tpu.dma_semaphore, #tpu.memory_space<semaphore_mem>>) src(%arg7 : memref<64x128xf32, #tpu.memory_space<vmem>>) dst(%dma_wait3A_93 : memref<64x128xf32, #tpu.memory_space<hbm>>)
      } else {
      }
      %broadcast_in_dim3A = arith.constant 0 : i32
      %broadcast_in_dim3A_60 = vector.broadcast %broadcast_in_dim3A : i32 to vector<16xi32>
      %scan3A_61 = arith.constant 0 : i32
      %scan3A_62 = arith.constant 64 : i32
      %scan3A_63 = arith.addi %scan3A_61, %scan3A_62 : i32
      %scan3A_64 = arith.constant 1 : i32
      %scan3A_65 = scf.for %scan3A_88 = %scan3A_61 to %scan3A_63 step %scan3A_64 iter_args(%scan3A_89 = %broadcast_in_dim3A_60) -> (vector<16xi32>)  : i32 {
        %gather3A = tpu.vector_load_idx %arg5[%iota3A, %scan3A_89] : memref<16x512xf32, #tpu.memory_space<vmem>>[vector<16xi32>, vector<16xi32>], vector<16xf32>,
        %swap3A = arith.index_cast %scan3A_88 : i32 to index
        %swap3A_90 = arith.constant 0 : index
        %swap3A_91 = tpu.vector_load %arg7[%swap3A, %swap3A_90] {strides = array<i32>} : memref<64x128xf32, #tpu.memory_space<vmem>>, vector<16xf32>,
        tpu.vector_store %arg7[%swap3A, %swap3A_90], %gather3A {strides = array<i32>} : memref<64x128xf32, #tpu.memory_space<vmem>>, vector<16xf32>,
        %add3A_92 = arith.constant 1 : i32
        %add3A_93 = vector.broadcast %add3A_92 : i32 to vector<16xi32>
        %add3A_94 = arith.addi %scan3A_89, %add3A_93 : vector<16xi32>
        %gather3A_95 = tpu.vector_load_idx %arg5[%iota3A, %add3A_94] : memref<16x512xf32, #tpu.memory_space<vmem>>[vector<16xi32>, vector<16xi32>], vector<16xf32>,
        %swap3A_96 = arith.index_cast %scan3A_88 : i32 to index
        %swap3A_97 = arith.constant 16 : index
        %swap3A_98 = tpu.vector_load %arg7[%swap3A_96, %swap3A_97] {strides = array<i32>} : memref<64x128xf32, #tpu.memory_space<vmem>>, vector<16xf32>,
        tpu.vector_store %arg7[%swap3A_96, %swap3A_97], %gather3A_95 {strides = array<i32>} : memref<64x128xf32, #tpu.memory_space<vmem>>, vector<16xf32>,
        %add3A_99 = arith.constant 1 : i32
        %add3A_100 = vector.broadcast %add3A_99 : i32 to vector<16xi32>
        %add3A_101 = arith.addi %add3A_94, %add3A_100 : vector<16xi32>
        %gather3A_102 = tpu.vector_load_idx %arg5[%iota3A, %add3A_101] : memref<16x512xf32, #tpu.memory_space<vmem>>[vector<16xi32>, vector<16xi32>], vector<16xf32>,
        %swap3A_103 = arith.index_cast %scan3A_88 : i32 to index
        %swap3A_104 = arith.constant 32 : index
        %swap3A_105 = tpu.vector_load %arg7[%swap3A_103, %swap3A_104] {strides = array<i32>} : memref<64x128xf32, #tpu.memory_space<vmem>>, vector<16xf32>,
        tpu.vector_store %arg7[%swap3A_103, %swap3A_104], %gather3A_102 {strides = array<i32>} : memref<64x128xf32, #tpu.memory_space<vmem>>, vector<16xf32>,
        %add3A_106 = arith.constant 1 : i32
        %add3A_107 = vector.broadcast %add3A_106 : i32 to vector<16xi32>
        %add3A_108 = arith.addi %add3A_101, %add3A_107 : vector<16xi32>
        %gather3A_109 = tpu.vector_load_idx %arg5[%iota3A, %add3A_108] : memref<16x512xf32, #tpu.memory_space<vmem>>[vector<16xi32>, vector<16xi32>], vector<16xf32>,
        %swap3A_110 = arith.index_cast %scan3A_88 : i32 to index
        %swap3A_111 = arith.constant 48 : index
        %swap3A_112 = tpu.vector_load %arg7[%swap3A_110, %swap3A_111] {strides = array<i32>} : memref<64x128xf32, #tpu.memory_space<vmem>>, vector<16xf32>,
        tpu.vector_store %arg7[%swap3A_110, %swap3A_111], %gather3A_109 {strides = array<i32>} : memref<64x128xf32, #tpu.memory_space<vmem>>, vector<16xf32>,
        %add3A_113 = arith.constant 1 : i32
        %add3A_114 = vector.broadcast %add3A_113 : i32 to vector<16xi32>
        %add3A_115 = arith.addi %add3A_108, %add3A_114 : vector<16xi32>
        %gather3A_116 = tpu.vector_load_idx %arg5[%iota3A, %add3A_115] : memref<16x512xf32, #tpu.memory_space<vmem>>[vector<16xi32>, vector<16xi32>], vector<16xf32>,
        %swap3A_117 = arith.index_cast %scan3A_88 : i32 to index
        %swap3A_118 = arith.constant 64 : index
        %swap3A_119 = tpu.vector_load %arg7[%swap3A_117, %swap3A_118] {strides = array<i32>} : memref<64x128xf32, #tpu.memory_space<vmem>>, vector<16xf32>,
        tpu.vector_store %arg7[%swap3A_117, %swap3A_118], %gather3A_116 {strides = array<i32>} : memref<64x128xf32, #tpu.memory_space<vmem>>, vector<16xf32>,
        %add3A_120 = arith.constant 1 : i32
        %add3A_121 = vector.broadcast %add3A_120 : i32 to vector<16xi32>
        %add3A_122 = arith.addi %add3A_115, %add3A_121 : vector<16xi32>
        %gather3A_123 = tpu.vector_load_idx %arg5[%iota3A, %add3A_122] : memref<16x512xf32, #tpu.memory_space<vmem>>[vector<16xi32>, vector<16xi32>], vector<16xf32>,
        %swap3A_124 = arith.index_cast %scan3A_88 : i32 to index
        %swap3A_125 = arith.constant 80 : index
        %swap3A_126 = tpu.vector_load %arg7[%swap3A_124, %swap3A_125] {strides = array<i32>} : memref<64x128xf32, #tpu.memory_space<vmem>>, vector<16xf32>,
        tpu.vector_store %arg7[%swap3A_124, %swap3A_125], %gather3A_123 {strides = array<i32>} : memref<64x128xf32, #tpu.memory_space<vmem>>, vector<16xf32>,
        %add3A_127 = arith.constant 1 : i32
        %add3A_128 = vector.broadcast %add3A_127 : i32 to vector<16xi32>
        %add3A_129 = arith.addi %add3A_122, %add3A_128 : vector<16xi32>
        %gather3A_130 = tpu.vector_load_idx %arg5[%iota3A, %add3A_129] : memref<16x512xf32, #tpu.memory_space<vmem>>[vector<16xi32>, vector<16xi32>], vector<16xf32>,
        %swap3A_131 = arith.index_cast %scan3A_88 : i32 to index
        %swap3A_132 = arith.constant 96 : index
        %swap3A_133 = tpu.vector_load %arg7[%swap3A_131, %swap3A_132] {strides = array<i32>} : memref<64x128xf32, #tpu.memory_space<vmem>>, vector<16xf32>,
        tpu.vector_store %arg7[%swap3A_131, %swap3A_132], %gather3A_130 {strides = array<i32>} : memref<64x128xf32, #tpu.memory_space<vmem>>, vector<16xf32>,
        %add3A_134 = arith.constant 1 : i32
        %add3A_135 = vector.broadcast %add3A_134 : i32 to vector<16xi32>
        %add3A_136 = arith.addi %add3A_129, %add3A_135 : vector<16xi32>
        %gather3A_137 = tpu.vector_load_idx %arg5[%iota3A, %add3A_136] : memref<16x512xf32, #tpu.memory_space<vmem>>[vector<16xi32>, vector<16xi32>], vector<16xf32>,
        %swap3A_138 = arith.index_cast %scan3A_88 : i32 to index
        %swap3A_139 = arith.constant 112 : index
        %swap3A_140 = tpu.vector_load %arg7[%swap3A_138, %swap3A_139] {strides = array<i32>} : memref<64x128xf32, #tpu.memory_space<vmem>>, vector<16xf32>,
        tpu.vector_store %arg7[%swap3A_138, %swap3A_139], %gather3A_137 {strides = array<i32>} : memref<64x128xf32, #tpu.memory_space<vmem>>, vector<16xf32>,
        %add3A_141 = arith.constant 1 : i32
        %add3A_142 = vector.broadcast %add3A_141 : i32 to vector<16xi32>
        %add3A_143 = arith.addi %add3A_136, %add3A_142 : vector<16xi32>
        scf.yield %add3A_143 : vector<16xi32>
      }
      %scan3A_66 = arith.constant 64 : i32
      %ge3A = arith.constant 61 : i32
      %ge3A_67 = arith.cmpi sge, %mul3A_38, %ge3A : i32
      %mul3A_68 = arith.constant 61 : i32
      %mul3A_69 = arith.muli %add3A, %mul3A_68 : i32
      %add3A_70 = arith.addi %mul3A_69, %mul3A_38 : i32
      %jit3A_71 = arith.constant 1952 : i32
      %select_n3A_72 = arith.select %ge3A_67, %jit3A_71, %add3A_70 : i32
      %mul3A_73 = arith.constant 64 : i32
      %mul3A_74 = arith.muli %select_n3A_72, %mul3A_73 : i32
      %dma_start3A_75 = arith.constant 0 : i32
      %dma_start3A_76 = tpu.memref_slice %arg4[%mul3A_74, %dma_start3A_75] : memref<125000x128xf32, #tpu.memory_space<hbm>> -> memref<64x128xf32, #tpu.memory_space<hbm>>
      %dma_start3A_77 = arith.constant 0 : i32
      %dma_start3A_78 = tpu.memref_slice %arg4[%mul3A_74, %dma_start3A_77] : memref<125000x128xf32, #tpu.memory_space<hbm>> -> memref<64x128xf32, #tpu.memory_space<hbm>>
      tpu.enqueue_dma source(%arg7 : memref<64x128xf32, #tpu.memory_space<vmem>>) target(%dma_start3A_78 : memref<64x128xf32, #tpu.memory_space<hbm>>) target_semaphore(%arg11 : memref<!tpu.dma_semaphore, #tpu.memory_space<semaphore_mem>>)
      %lt3A_79 = arith.cmpi slt, %add3A_46, %select_n3A : i32
      %convert_element_type3A_80 = arith.extui %lt3A_79 : i1 to i32
      %cond3A_81 = arith.constant 0 : i32
      %cond3A_82 = arith.cmpi ne, %convert_element_type3A_80, %cond3A_81 : i32
      scf.if %cond3A_82 {
        %ge3A_88 = arith.constant 61 : i32
        %ge3A_89 = arith.cmpi sge, %add3A_46, %ge3A_88 : i32
        %mul3A_90 = arith.constant 61 : i32
        %mul3A_91 = arith.muli %add3A, %mul3A_90 : i32
        %add3A_92 = arith.addi %mul3A_91, %add3A_46 : i32
        %jit3A_93 = arith.constant 1952 : i32
        %select_n3A_94 = arith.select %ge3A_89, %jit3A_93, %add3A_92 : i32
        %mul3A_95 = arith.constant 512 : i32
        %mul3A_96 = arith.muli %select_n3A_94, %mul3A_95 : i32
        %dma_start3A_97 = arith.constant 0 : i32
        %dma_start3A_98 = tpu.memref_slice %arg2[%dma_start3A_97, %mul3A_96] : memref<16x1000000xf32, #tpu.memory_space<hbm>> -> memref<16x512xf32, #tpu.memory_space<hbm>>
        %dma_start3A_99 = arith.constant 0 : i32
        %dma_start3A_100 = tpu.memref_slice %arg2[%dma_start3A_99, %mul3A_96] : memref<16x1000000xf32, #tpu.memory_space<hbm>> -> memref<16x512xf32, #tpu.memory_space<hbm>>
        tpu.enqueue_dma source(%dma_start3A_100 : memref<16x512xf32, #tpu.memory_space<hbm>>) target(%arg5 : memref<16x512xf32, #tpu.memory_space<vmem>>) target_semaphore(%arg9 : memref<!tpu.dma_semaphore, #tpu.memory_space<semaphore_mem>>)
      } else {
      }
      %lt3A_83 = arith.cmpi slt, %add3A_42, %select_n3A : i32
      %convert_element_type3A_84 = arith.extui %lt3A_83 : i1 to i32
      %cond3A_85 = arith.constant 0 : i32
      %cond3A_86 = arith.cmpi ne, %convert_element_type3A_84, %cond3A_85 : i32
      scf.if %cond3A_86 {
        %dma_wait3A_88 = arith.constant 0 : i32
        %dma_wait3A_89 = arith.constant 0 : i32
        %dma_wait3A_90 = tpu.memref_slice %arg2[%dma_wait3A_88, %dma_wait3A_89] : memref<16x1000000xf32, #tpu.memory_space<hbm>> -> memref<16x512xf32, #tpu.memory_space<hbm>>
        %dma_wait3A_91 = arith.constant 0 : i32
        %dma_wait3A_92 = arith.constant 0 : i32
        %dma_wait3A_93 = tpu.memref_slice %arg2[%dma_wait3A_91, %dma_wait3A_92] : memref<16x1000000xf32, #tpu.memory_space<hbm>> -> memref<16x512xf32, #tpu.memory_space<hbm>>
        tpu.wait_dma2 semaphore(%arg10 : memref<!tpu.dma_semaphore, #tpu.memory_space<semaphore_mem>>) src(%dma_wait3A_93 : memref<16x512xf32, #tpu.memory_space<hbm>>) dst(%arg6 : memref<16x512xf32, #tpu.memory_space<vmem>>)
        %gt3A_94 = arith.constant 0 : i32
        %gt3A_95 = arith.cmpi sgt, %scan3A_35, %gt3A_94 : i32
        %convert_element_type3A_96 = arith.extui %gt3A_95 : i1 to i32
        %cond3A_97 = arith.constant 0 : i32
        %cond3A_98 = arith.cmpi ne, %convert_element_type3A_96, %cond3A_97 : i32
        scf.if %cond3A_98 {
          %dma_wait3A_120 = arith.constant 0 : i32
          %dma_wait3A_121 = arith.constant 0 : i32
          %dma_wait3A_122 = tpu.memref_slice %arg4[%dma_wait3A_120, %dma_wait3A_121] : memref<125000x128xf32, #tpu.memory_space<hbm>> -> memref<64x128xf32, #tpu.memory_space<hbm>>
          %dma_wait3A_123 = arith.constant 0 : i32
          %dma_wait3A_124 = arith.constant 0 : i32
          %dma_wait3A_125 = tpu.memref_slice %arg4[%dma_wait3A_123, %dma_wait3A_124] : memref<125000x128xf32, #tpu.memory_space<hbm>> -> memref<64x128xf32, #tpu.memory_space<hbm>>
          tpu.wait_dma2 semaphore(%arg12 : memref<!tpu.dma_semaphore, #tpu.memory_space<semaphore_mem>>) src(%arg8 : memref<64x128xf32, #tpu.memory_space<vmem>>) dst(%dma_wait3A_125 : memref<64x128xf32, #tpu.memory_space<hbm>>)
        } else {
        }
        %broadcast_in_dim3A_99 = arith.constant 0 : i32
        %broadcast_in_dim3A_100 = vector.broadcast %broadcast_in_dim3A_99 : i32 to vector<16xi32>
        %scan3A_101 = arith.constant 0 : i32
        %scan3A_102 = arith.constant 64 : i32
        %scan3A_103 = arith.addi %scan3A_101, %scan3A_102 : i32
        %scan3A_104 = arith.constant 1 : i32
        %scan3A_105 = scf.for %scan3A_120 = %scan3A_101 to %scan3A_103 step %scan3A_104 iter_args(%scan3A_121 = %broadcast_in_dim3A_100) -> (vector<16xi32>)  : i32 {
          %gather3A = tpu.vector_load_idx %arg6[%iota3A, %scan3A_121] : memref<16x512xf32, #tpu.memory_space<vmem>>[vector<16xi32>, vector<16xi32>], vector<16xf32>,
          %swap3A = arith.index_cast %scan3A_120 : i32 to index
          %swap3A_122 = arith.constant 0 : index
          %swap3A_123 = tpu.vector_load %arg8[%swap3A, %swap3A_122] {strides = array<i32>} : memref<64x128xf32, #tpu.memory_space<vmem>>, vector<16xf32>,
          tpu.vector_store %arg8[%swap3A, %swap3A_122], %gather3A {strides = array<i32>} : memref<64x128xf32, #tpu.memory_space<vmem>>, vector<16xf32>,
          %add3A_124 = arith.constant 1 : i32
          %add3A_125 = vector.broadcast %add3A_124 : i32 to vector<16xi32>
          %add3A_126 = arith.addi %scan3A_121, %add3A_125 : vector<16xi32>
          %gather3A_127 = tpu.vector_load_idx %arg6[%iota3A, %add3A_126] : memref<16x512xf32, #tpu.memory_space<vmem>>[vector<16xi32>, vector<16xi32>], vector<16xf32>,
          %swap3A_128 = arith.index_cast %scan3A_120 : i32 to index
          %swap3A_129 = arith.constant 16 : index
          %swap3A_130 = tpu.vector_load %arg8[%swap3A_128, %swap3A_129] {strides = array<i32>} : memref<64x128xf32, #tpu.memory_space<vmem>>, vector<16xf32>,
          tpu.vector_store %arg8[%swap3A_128, %swap3A_129], %gather3A_127 {strides = array<i32>} : memref<64x128xf32, #tpu.memory_space<vmem>>, vector<16xf32>,
          %add3A_131 = arith.constant 1 : i32
          %add3A_132 = vector.broadcast %add3A_131 : i32 to vector<16xi32>
          %add3A_133 = arith.addi %add3A_126, %add3A_132 : vector<16xi32>
          %gather3A_134 = tpu.vector_load_idx %arg6[%iota3A, %add3A_133] : memref<16x512xf32, #tpu.memory_space<vmem>>[vector<16xi32>, vector<16xi32>], vector<16xf32>,
          %swap3A_135 = arith.index_cast %scan3A_120 : i32 to index
          %swap3A_136 = arith.constant 32 : index
          %swap3A_137 = tpu.vector_load %arg8[%swap3A_135, %swap3A_136] {strides = array<i32>} : memref<64x128xf32, #tpu.memory_space<vmem>>, vector<16xf32>,
          tpu.vector_store %arg8[%swap3A_135, %swap3A_136], %gather3A_134 {strides = array<i32>} : memref<64x128xf32, #tpu.memory_space<vmem>>, vector<16xf32>,
          %add3A_138 = arith.constant 1 : i32
          %add3A_139 = vector.broadcast %add3A_138 : i32 to vector<16xi32>
          %add3A_140 = arith.addi %add3A_133, %add3A_139 : vector<16xi32>
          %gather3A_141 = tpu.vector_load_idx %arg6[%iota3A, %add3A_140] : memref<16x512xf32, #tpu.memory_space<vmem>>[vector<16xi32>, vector<16xi32>], vector<16xf32>,
          %swap3A_142 = arith.index_cast %scan3A_120 : i32 to index
          %swap3A_143 = arith.constant 48 : index
          %swap3A_144 = tpu.vector_load %arg8[%swap3A_142, %swap3A_143] {strides = array<i32>} : memref<64x128xf32, #tpu.memory_space<vmem>>, vector<16xf32>,
          tpu.vector_store %arg8[%swap3A_142, %swap3A_143], %gather3A_141 {strides = array<i32>} : memref<64x128xf32, #tpu.memory_space<vmem>>, vector<16xf32>,
          %add3A_145 = arith.constant 1 : i32
          %add3A_146 = vector.broadcast %add3A_145 : i32 to vector<16xi32>
          %add3A_147 = arith.addi %add3A_140, %add3A_146 : vector<16xi32>
          %gather3A_148 = tpu.vector_load_idx %arg6[%iota3A, %add3A_147] : memref<16x512xf32, #tpu.memory_space<vmem>>[vector<16xi32>, vector<16xi32>], vector<16xf32>,
          %swap3A_149 = arith.index_cast %scan3A_120 : i32 to index
          %swap3A_150 = arith.constant 64 : index
          %swap3A_151 = tpu.vector_load %arg8[%swap3A_149, %swap3A_150] {strides = array<i32>} : memref<64x128xf32, #tpu.memory_space<vmem>>, vector<16xf32>,
          tpu.vector_store %arg8[%swap3A_149, %swap3A_150], %gather3A_148 {strides = array<i32>} : memref<64x128xf32, #tpu.memory_space<vmem>>, vector<16xf32>,
          %add3A_152 = arith.constant 1 : i32
          %add3A_153 = vector.broadcast %add3A_152 : i32 to vector<16xi32>
          %add3A_154 = arith.addi %add3A_147, %add3A_153 : vector<16xi32>
          %gather3A_155 = tpu.vector_load_idx %arg6[%iota3A, %add3A_154] : memref<16x512xf32, #tpu.memory_space<vmem>>[vector<16xi32>, vector<16xi32>], vector<16xf32>,
          %swap3A_156 = arith.index_cast %scan3A_120 : i32 to index
          %swap3A_157 = arith.constant 80 : index
          %swap3A_158 = tpu.vector_load %arg8[%swap3A_156, %swap3A_157] {strides = array<i32>} : memref<64x128xf32, #tpu.memory_space<vmem>>, vector<16xf32>,
          tpu.vector_store %arg8[%swap3A_156, %swap3A_157], %gather3A_155 {strides = array<i32>} : memref<64x128xf32, #tpu.memory_space<vmem>>, vector<16xf32>,
          %add3A_159 = arith.constant 1 : i32
          %add3A_160 = vector.broadcast %add3A_159 : i32 to vector<16xi32>
          %add3A_161 = arith.addi %add3A_154, %add3A_160 : vector<16xi32>
          %gather3A_162 = tpu.vector_load_idx %arg6[%iota3A, %add3A_161] : memref<16x512xf32, #tpu.memory_space<vmem>>[vector<16xi32>, vector<16xi32>], vector<16xf32>,
          %swap3A_163 = arith.index_cast %scan3A_120 : i32 to index
          %swap3A_164 = arith.constant 96 : index
          %swap3A_165 = tpu.vector_load %arg8[%swap3A_163, %swap3A_164] {strides = array<i32>} : memref<64x128xf32, #tpu.memory_space<vmem>>, vector<16xf32>,
          tpu.vector_store %arg8[%swap3A_163, %swap3A_164], %gather3A_162 {strides = array<i32>} : memref<64x128xf32, #tpu.memory_space<vmem>>, vector<16xf32>,
          %add3A_166 = arith.constant 1 : i32
          %add3A_167 = vector.broadcast %add3A_166 : i32 to vector<16xi32>
          %add3A_168 = arith.addi %add3A_161, %add3A_167 : vector<16xi32>
          %gather3A_169 = tpu.vector_load_idx %arg6[%iota3A, %add3A_168] : memref<16x512xf32, #tpu.memory_space<vmem>>[vector<16xi32>, vector<16xi32>], vector<16xf32>,
          %swap3A_170 = arith.index_cast %scan3A_120 : i32 to index
          %swap3A_171 = arith.constant 112 : index
          %swap3A_172 = tpu.vector_load %arg8[%swap3A_170, %swap3A_171] {strides = array<i32>} : memref<64x128xf32, #tpu.memory_space<vmem>>, vector<16xf32>,
          tpu.vector_store %arg8[%swap3A_170, %swap3A_171], %gather3A_169 {strides = array<i32>} : memref<64x128xf32, #tpu.memory_space<vmem>>, vector<16xf32>,
          %add3A_173 = arith.constant 1 : i32
          %add3A_174 = vector.broadcast %add3A_173 : i32 to vector<16xi32>
          %add3A_175 = arith.addi %add3A_168, %add3A_174 : vector<16xi32>
          scf.yield %add3A_175 : vector<16xi32>
        }
        %scan3A_106 = arith.constant 64 : i32
        %ge3A_107 = arith.constant 61 : i32
        %ge3A_108 = arith.cmpi sge, %add3A_42, %ge3A_107 : i32
        %mul3A_109 = arith.constant 61 : i32
        %mul3A_110 = arith.muli %add3A, %mul3A_109 : i32
        %add3A_111 = arith.addi %mul3A_110, %add3A_42 : i32
        %jit3A_112 = arith.constant 1952 : i32
        %select_n3A_113 = arith.select %ge3A_108, %jit3A_112, %add3A_111 : i32
        %mul3A_114 = arith.constant 64 : i32
        %mul3A_115 = arith.muli %select_n3A_113, %mul3A_114 : i32
        %dma_start3A_116 = arith.constant 0 : i32
        %dma_start3A_117 = tpu.memref_slice %arg4[%mul3A_115, %dma_start3A_116] : memref<125000x128xf32, #tpu.memory_space<hbm>> -> memref<64x128xf32, #tpu.memory_space<hbm>>
        %dma_start3A_118 = arith.constant 0 : i32
        %dma_start3A_119 = tpu.memref_slice %arg4[%mul3A_115, %dma_start3A_118] : memref<125000x128xf32, #tpu.memory_space<hbm>> -> memref<64x128xf32, #tpu.memory_space<hbm>>
        tpu.enqueue_dma source(%arg8 : memref<64x128xf32, #tpu.memory_space<vmem>>) target(%dma_start3A_119 : memref<64x128xf32, #tpu.memory_space<hbm>>) target_semaphore(%arg12 : memref<!tpu.dma_semaphore, #tpu.memory_space<semaphore_mem>>)
      } else {
      }
      %scan3A_87 = arith.constant 0 : i32
      scf.yield %scan3A_87 : i32
    }
    %scan3A_20 = arith.constant 31 : i32
    %dma_wait3A = arith.constant 0 : i32
    %dma_wait3A_21 = arith.constant 0 : i32
    %dma_wait3A_22 = tpu.memref_slice %arg4[%dma_wait3A, %dma_wait3A_21] : memref<125000x128xf32, #tpu.memory_space<hbm>> -> memref<64x128xf32, #tpu.memory_space<hbm>>
    %dma_wait3A_23 = arith.constant 0 : i32
    %dma_wait3A_24 = arith.constant 0 : i32
    %dma_wait3A_25 = tpu.memref_slice %arg4[%dma_wait3A_23, %dma_wait3A_24] : memref<125000x128xf32, #tpu.memory_space<hbm>> -> memref<64x128xf32, #tpu.memory_space<hbm>>
    tpu.wait_dma2 semaphore(%arg11 : memref<!tpu.dma_semaphore, #tpu.memory_space<semaphore_mem>>) src(%arg7 : memref<64x128xf32, #tpu.memory_space<vmem>>) dst(%dma_wait3A_25 : memref<64x128xf32, #tpu.memory_space<hbm>>)
    %dma_wait3A_26 = arith.constant 0 : i32
    %dma_wait3A_27 = arith.constant 0 : i32
    %dma_wait3A_28 = tpu.memref_slice %arg4[%dma_wait3A_26, %dma_wait3A_27] : memref<125000x128xf32, #tpu.memory_space<hbm>> -> memref<64x128xf32, #tpu.memory_space<hbm>>
    %dma_wait3A_29 = arith.constant 0 : i32
    %dma_wait3A_30 = arith.constant 0 : i32
    %dma_wait3A_31 = tpu.memref_slice %arg4[%dma_wait3A_29, %dma_wait3A_30] : memref<125000x128xf32, #tpu.memory_space<hbm>> -> memref<64x128xf32, #tpu.memory_space<hbm>>
    tpu.wait_dma2 semaphore(%arg12 : memref<!tpu.dma_semaphore, #tpu.memory_space<semaphore_mem>>) src(%arg8 : memref<64x128xf32, #tpu.memory_space<vmem>>) dst(%dma_wait3A_31 : memref<64x128xf32, #tpu.memory_space<hbm>>)
    %eq3A_32 = arith.constant 31 : i32
    %eq3A_33 = arith.cmpi eq, %add3A, %eq3A_32 : i32
    %convert_element_type3A = arith.extui %eq3A_33 : i1 to i32
    %cond3A = arith.constant 0 : i32
    %cond3A_34 = arith.cmpi ne, %convert_element_type3A, %cond3A : i32
    scf.if %cond3A_34 {
      "tpu.region"() ({
        %run_scoped3A = tpu.sem_alloc : memref<!tpu.dma_semaphore, #tpu.memory_space<semaphore_mem>>
        %dma_start3A_35 = arith.constant 0 : i32
        %dma_start3A_36 = arith.constant 0 : i32
        %dma_start3A_37 = tpu.memref_slice %arg5[%dma_start3A_35, %dma_start3A_36] : memref<16x512xf32, #tpu.memory_space<vmem>> -> memref<8x128xf32, #tpu.memory_space<vmem>>
        %dma_start3A_38 = arith.constant 0 : i32
        %dma_start3A_39 = arith.constant 0 : i32
        %dma_start3A_40 = tpu.memref_slice %arg5[%dma_start3A_38, %dma_start3A_39] : memref<16x512xf32, #tpu.memory_space<vmem>> -> memref<8x128xf32, #tpu.memory_space<vmem>>
        tpu.enqueue_dma source(%arg3 : memref<8x128xf32, #tpu.memory_space<hbm>>) target(%dma_start3A_40 : memref<8x128xf32, #tpu.memory_space<vmem>>) target_semaphore(%run_scoped3A : memref<!tpu.dma_semaphore, #tpu.memory_space<semaphore_mem>>)
        %dma_wait3A_41 = arith.constant 0 : i32
        %dma_wait3A_42 = arith.constant 0 : i32
        %dma_wait3A_43 = tpu.memref_slice %arg5[%dma_wait3A_41, %dma_wait3A_42] : memref<16x512xf32, #tpu.memory_space<vmem>> -> memref<8x128xf32, #tpu.memory_space<vmem>>
        %dma_wait3A_44 = arith.constant 0 : i32
        %dma_wait3A_45 = arith.constant 0 : i32
        %dma_wait3A_46 = tpu.memref_slice %arg5[%dma_wait3A_44, %dma_wait3A_45] : memref<16x512xf32, #tpu.memory_space<vmem>> -> memref<8x128xf32, #tpu.memory_space<vmem>>
        tpu.wait_dma2 semaphore(%run_scoped3A : memref<!tpu.dma_semaphore, #tpu.memory_space<semaphore_mem>>) src(%arg3 : memref<8x128xf32, #tpu.memory_space<hbm>>) dst(%dma_wait3A_46 : memref<8x128xf32, #tpu.memory_space<vmem>>)
        tpu.yield
      }) : () -> ()
      "tpu.region"() ({
        %run_scoped3A = tpu.sem_alloc : memref<!tpu.dma_semaphore, #tpu.memory_space<semaphore_mem>>
        %dma_start3A_35 = arith.constant 0 : i32
        %dma_start3A_36 = arith.constant 0 : i32
        %dma_start3A_37 = tpu.memref_slice %arg5[%dma_start3A_35, %dma_start3A_36] : memref<16x512xf32, #tpu.memory_space<vmem>> -> memref<8x128xf32, #tpu.memory_space<vmem>>
        %dma_start3A_38 = arith.constant 124992 : i32
        %dma_start3A_39 = arith.constant 0 : i32
        %dma_start3A_40 = tpu.memref_slice %arg4[%dma_start3A_38, %dma_start3A_39] : memref<125000x128xf32, #tpu.memory_space<hbm>> -> memref<8x128xf32, #tpu.memory_space<hbm>>
        %dma_start3A_41 = arith.constant 124992 : i32
        %dma_start3A_42 = arith.constant 0 : i32
        %dma_start3A_43 = tpu.memref_slice %arg4[%dma_start3A_41, %dma_start3A_42] : memref<125000x128xf32, #tpu.memory_space<hbm>> -> memref<8x128xf32, #tpu.memory_space<hbm>>
        %dma_start3A_44 = arith.constant 0 : i32
        %dma_start3A_45 = arith.constant 0 : i32
        %dma_start3A_46 = tpu.memref_slice %arg5[%dma_start3A_44, %dma_start3A_45] : memref<16x512xf32, #tpu.memory_space<vmem>> -> memref<8x128xf32, #tpu.memory_space<vmem>>
        tpu.enqueue_dma source(%dma_start3A_46 : memref<8x128xf32, #tpu.memory_space<vmem>>) target(%dma_start3A_43 : memref<8x128xf32, #tpu.memory_space<hbm>>) target_semaphore(%run_scoped3A : memref<!tpu.dma_semaphore, #tpu.memory_space<semaphore_mem>>)
        %dma_wait3A_47 = arith.constant 0 : i32
        %dma_wait3A_48 = arith.constant 0 : i32
        %dma_wait3A_49 = tpu.memref_slice %arg5[%dma_wait3A_47, %dma_wait3A_48] : memref<16x512xf32, #tpu.memory_space<vmem>> -> memref<8x128xf32, #tpu.memory_space<vmem>>
        %dma_wait3A_50 = arith.constant 124992 : i32
        %dma_wait3A_51 = arith.constant 0 : i32
        %dma_wait3A_52 = tpu.memref_slice %arg4[%dma_wait3A_50, %dma_wait3A_51] : memref<125000x128xf32, #tpu.memory_space<hbm>> -> memref<8x128xf32, #tpu.memory_space<hbm>>
        %dma_wait3A_53 = arith.constant 124992 : i32
        %dma_wait3A_54 = arith.constant 0 : i32
        %dma_wait3A_55 = tpu.memref_slice %arg4[%dma_wait3A_53, %dma_wait3A_54] : memref<125000x128xf32, #tpu.memory_space<hbm>> -> memref<8x128xf32, #tpu.memory_space<hbm>>
        %dma_wait3A_56 = arith.constant 0 : i32
        %dma_wait3A_57 = arith.constant 0 : i32
        %dma_wait3A_58 = tpu.memref_slice %arg5[%dma_wait3A_56, %dma_wait3A_57] : memref<16x512xf32, #tpu.memory_space<vmem>> -> memref<8x128xf32, #tpu.memory_space<vmem>>
        tpu.wait_dma2 semaphore(%run_scoped3A : memref<!tpu.dma_semaphore, #tpu.memory_space<semaphore_mem>>) src(%dma_wait3A_58 : memref<8x128xf32, #tpu.memory_space<vmem>>) dst(%dma_wait3A_55 : memref<8x128xf32, #tpu.memory_space<hbm>>)
        tpu.yield
      }) : () -> ()
    } else {
    }
    return
  }
}

#map = affine_map<(d0, d1) -> (0, 0, 0)>
#map1 = affine_map<(d0, d1) -> (0, 0)>
#map2 = affine_map<(d0, d1) -> (0)>
module attributes {stable_mosaic.version = 14 : i64} {
  func.func @k(%arg0: i32, %arg1: i32, %arg2: memref<32x32x128xi32, #tpu.memory_space<hbm>>, %arg3: memref<32x128x32xi32, #tpu.memory_space<hbm>>, %arg4: memref<1000000x16xf32, #tpu.memory_space<hbm>>, %arg5: memref<1000000xf32, #tpu.memory_space<hbm>>, %arg6: memref<32768x16xf32, #tpu.memory_space<hbm>>, %arg7: memref<32768x16xf32, #tpu.memory_space<hbm>>, %arg8: memref<32768x16xf32, #tpu.memory_space<hbm>>, %arg9: memref<32768x16xf32, #tpu.memory_space<hbm>>, %arg10: memref<4096x32xf32, #tpu.memory_space<hbm>>, %arg11: memref<32x128xi32, #tpu.memory_space<vmem>>, %arg12: memref<128x32xi32, #tpu.memory_space<vmem>>, %arg13: memref<4096x16xf32, #tpu.memory_space<vmem>>, %arg14: memref<128x32xf32, #tpu.memory_space<vmem>>, %arg15: memref<!tpu.dma_semaphore, #tpu.memory_space<semaphore_mem>>, %arg16: memref<!tpu.dma_semaphore, #tpu.memory_space<semaphore_mem>>) attributes {dimension_semantics = [#tpu.dimension_semantics<core_parallel>, #tpu.dimension_semantics<subcore_parallel>], iteration_bounds = array<i64: 2, 16>, scalar_prefetch = 0 : i64, scratch_operands = 6 : i64, tpu.core_type = #tpu.core_type<sc_vector_subcore>, window_params = [{transform_indices = #map}, {transform_indices = #map}, {transform_indices = #map1}, {transform_indices = #map2}, {transform_indices = #map1}, {transform_indices = #map1}, {transform_indices = #map1}, {transform_indices = #map1}, {transform_indices = #map1}]} {
    %mul3A = arith.constant 2 : i32
    %mul3A_0 = arith.muli %arg1, %mul3A : i32
    %add3A = arith.addi %mul3A_0, %arg0 : i32
    "tpu.region"() ({
      %run_scoped3A = tpu.sem_alloc : memref<!tpu.dma_semaphore, #tpu.memory_space<semaphore_mem>>
      %dma_start3A = arith.constant 0 : i32
      %dma_start3A_29 = arith.constant 0 : i32
      %dma_start3A_30 = tpu.memref_slice %arg2[%add3A, %dma_start3A, %dma_start3A_29] : memref<32x32x128xi32, #tpu.memory_space<hbm>> -> memref<1x32x128xi32, #tpu.memory_space<hbm>>
      %dma_start3A_31 = tpu.memref_squeeze %dma_start3A_30 : memref<1x32x128xi32, #tpu.memory_space<hbm>> -> memref<32x128xi32, #tpu.memory_space<hbm>>
      %dma_start3A_32 = arith.constant 0 : i32
      %dma_start3A_33 = arith.constant 0 : i32
      %dma_start3A_34 = tpu.memref_slice %arg2[%add3A, %dma_start3A_32, %dma_start3A_33] : memref<32x32x128xi32, #tpu.memory_space<hbm>> -> memref<1x32x128xi32, #tpu.memory_space<hbm>>
      %dma_start3A_35 = tpu.memref_squeeze %dma_start3A_34 : memref<1x32x128xi32, #tpu.memory_space<hbm>> -> memref<32x128xi32, #tpu.memory_space<hbm>>
      tpu.enqueue_dma source(%dma_start3A_35 : memref<32x128xi32, #tpu.memory_space<hbm>>) target(%arg11 : memref<32x128xi32, #tpu.memory_space<vmem>>) target_semaphore(%run_scoped3A : memref<!tpu.dma_semaphore, #tpu.memory_space<semaphore_mem>>)
      %dma_wait3A_36 = arith.constant 0 : i32
      %dma_wait3A_37 = arith.constant 0 : i32
      %dma_wait3A_38 = tpu.memref_slice %arg2[%add3A, %dma_wait3A_36, %dma_wait3A_37] : memref<32x32x128xi32, #tpu.memory_space<hbm>> -> memref<1x32x128xi32, #tpu.memory_space<hbm>>
      %dma_wait3A_39 = tpu.memref_squeeze %dma_wait3A_38 : memref<1x32x128xi32, #tpu.memory_space<hbm>> -> memref<32x128xi32, #tpu.memory_space<hbm>>
      %dma_wait3A_40 = arith.constant 0 : i32
      %dma_wait3A_41 = arith.constant 0 : i32
      %dma_wait3A_42 = tpu.memref_slice %arg2[%add3A, %dma_wait3A_40, %dma_wait3A_41] : memref<32x32x128xi32, #tpu.memory_space<hbm>> -> memref<1x32x128xi32, #tpu.memory_space<hbm>>
      %dma_wait3A_43 = tpu.memref_squeeze %dma_wait3A_42 : memref<1x32x128xi32, #tpu.memory_space<hbm>> -> memref<32x128xi32, #tpu.memory_space<hbm>>
      tpu.wait_dma2 semaphore(%run_scoped3A : memref<!tpu.dma_semaphore, #tpu.memory_space<semaphore_mem>>) src(%dma_wait3A_43 : memref<32x128xi32, #tpu.memory_space<hbm>>) dst(%arg11 : memref<32x128xi32, #tpu.memory_space<vmem>>)
      tpu.yield
    }) : () -> ()
    "tpu.region"() ({
      %run_scoped3A = tpu.sem_alloc : memref<!tpu.dma_semaphore, #tpu.memory_space<semaphore_mem>>
      %dma_start3A = arith.constant 0 : i32
      %dma_start3A_29 = arith.constant 0 : i32
      %dma_start3A_30 = tpu.memref_slice %arg3[%add3A, %dma_start3A, %dma_start3A_29] : memref<32x128x32xi32, #tpu.memory_space<hbm>> -> memref<1x128x32xi32, #tpu.memory_space<hbm>>
      %dma_start3A_31 = tpu.memref_squeeze %dma_start3A_30 : memref<1x128x32xi32, #tpu.memory_space<hbm>> -> memref<128x32xi32, #tpu.memory_space<hbm>>
      %dma_start3A_32 = arith.constant 0 : i32
      %dma_start3A_33 = arith.constant 0 : i32
      %dma_start3A_34 = tpu.memref_slice %arg3[%add3A, %dma_start3A_32, %dma_start3A_33] : memref<32x128x32xi32, #tpu.memory_space<hbm>> -> memref<1x128x32xi32, #tpu.memory_space<hbm>>
      %dma_start3A_35 = tpu.memref_squeeze %dma_start3A_34 : memref<1x128x32xi32, #tpu.memory_space<hbm>> -> memref<128x32xi32, #tpu.memory_space<hbm>>
      tpu.enqueue_dma source(%dma_start3A_35 : memref<128x32xi32, #tpu.memory_space<hbm>>) target(%arg12 : memref<128x32xi32, #tpu.memory_space<vmem>>) target_semaphore(%run_scoped3A : memref<!tpu.dma_semaphore, #tpu.memory_space<semaphore_mem>>)
      %dma_wait3A_36 = arith.constant 0 : i32
      %dma_wait3A_37 = arith.constant 0 : i32
      %dma_wait3A_38 = tpu.memref_slice %arg3[%add3A, %dma_wait3A_36, %dma_wait3A_37] : memref<32x128x32xi32, #tpu.memory_space<hbm>> -> memref<1x128x32xi32, #tpu.memory_space<hbm>>
      %dma_wait3A_39 = tpu.memref_squeeze %dma_wait3A_38 : memref<1x128x32xi32, #tpu.memory_space<hbm>> -> memref<128x32xi32, #tpu.memory_space<hbm>>
      %dma_wait3A_40 = arith.constant 0 : i32
      %dma_wait3A_41 = arith.constant 0 : i32
      %dma_wait3A_42 = tpu.memref_slice %arg3[%add3A, %dma_wait3A_40, %dma_wait3A_41] : memref<32x128x32xi32, #tpu.memory_space<hbm>> -> memref<1x128x32xi32, #tpu.memory_space<hbm>>
      %dma_wait3A_43 = tpu.memref_squeeze %dma_wait3A_42 : memref<1x128x32xi32, #tpu.memory_space<hbm>> -> memref<128x32xi32, #tpu.memory_space<hbm>>
      tpu.wait_dma2 semaphore(%run_scoped3A : memref<!tpu.dma_semaphore, #tpu.memory_space<semaphore_mem>>) src(%dma_wait3A_43 : memref<128x32xi32, #tpu.memory_space<hbm>>) dst(%arg12 : memref<128x32xi32, #tpu.memory_space<vmem>>)
      tpu.yield
    }) : () -> ()
    %scan3A = arith.constant 0 : i32
    %scan3A_1 = arith.constant 0 : i32
    %scan3A_2 = arith.constant 32 : i32
    %scan3A_3 = arith.addi %scan3A_1, %scan3A_2 : i32
    %scan3A_4 = arith.constant 1 : i32
    %scan3A_5 = scf.for %scan3A_29 = %scan3A_1 to %scan3A_3 step %scan3A_4 iter_args(%scan3A_30 = %scan3A) -> (i32)  : i32 {
      %mul3A_31 = arith.constant 128 : i32
      %mul3A_32 = arith.muli %scan3A_29, %mul3A_31 : i32
      %dma_start3A = arith.constant 0 : i32
      %dma_start3A_33 = tpu.memref_slice %arg13[%mul3A_32, %dma_start3A] : memref<4096x16xf32, #tpu.memory_space<vmem>> -> memref<128x16xf32, #tpu.memory_space<vmem>>
      %dma_start3A_34 = arith.constant 0 : i32
      %dma_start3A_35 = tpu.memref_slice %arg11[%scan3A_29, %dma_start3A_34] : memref<32x128xi32, #tpu.memory_space<vmem>> -> memref<1x128xi32, #tpu.memory_space<vmem>>
      %dma_start3A_36 = tpu.memref_squeeze %dma_start3A_35 : memref<1x128xi32, #tpu.memory_space<vmem>> -> memref<128xi32, #tpu.memory_space<vmem>>
      %dma_start3A_37 = arith.constant 0 : i32
      %dma_start3A_38 = arith.constant 0 : i32
      %dma_start3A_39 = tpu.memref_slice %arg4[%dma_start3A_37, %dma_start3A_38] : memref<1000000x16xf32, #tpu.memory_space<hbm>> -> memref<1000000x16xf32, #tpu.memory_space<hbm>>
      tpu.enqueue_indirect_dma source(%dma_start3A_39 : memref<1000000x16xf32, #tpu.memory_space<hbm>>) target(%dma_start3A_33 : memref<128x16xf32, #tpu.memory_space<vmem>>) offsets(%dma_start3A_36 : memref<128xi32, #tpu.memory_space<vmem>>) semaphore(%arg15 : memref<!tpu.dma_semaphore, #tpu.memory_space<semaphore_mem>>)
      %scan3A_40 = arith.constant 0 : i32
      scf.yield %scan3A_40 : i32
    }
    %scan3A_6 = arith.constant 32 : i32
    %scan3A_7 = arith.constant 0 : i32
    %scan3A_8 = arith.constant 0 : i32
    %scan3A_9 = arith.constant 128 : i32
    %scan3A_10 = arith.addi %scan3A_8, %scan3A_9 : i32
    %scan3A_11 = arith.constant 1 : i32
    %scan3A_12 = scf.for %scan3A_29 = %scan3A_8 to %scan3A_10 step %scan3A_11 iter_args(%scan3A_30 = %scan3A_7) -> (i32)  : i32 {
      %dma_start3A = arith.constant 0 : i32
      %dma_start3A_31 = tpu.memref_slice %arg14[%scan3A_29, %dma_start3A] : memref<128x32xf32, #tpu.memory_space<vmem>> -> memref<1x32xf32, #tpu.memory_space<vmem>>
      %dma_start3A_32 = tpu.memref_squeeze %dma_start3A_31 : memref<1x32xf32, #tpu.memory_space<vmem>> -> memref<32xf32, #tpu.memory_space<vmem>>
      %dma_start3A_33 = arith.constant 0 : i32
      %dma_start3A_34 = tpu.memref_slice %arg12[%scan3A_29, %dma_start3A_33] : memref<128x32xi32, #tpu.memory_space<vmem>> -> memref<1x32xi32, #tpu.memory_space<vmem>>
      %dma_start3A_35 = tpu.memref_squeeze %dma_start3A_34 : memref<1x32xi32, #tpu.memory_space<vmem>> -> memref<32xi32, #tpu.memory_space<vmem>>
      %dma_start3A_36 = arith.constant 0 : i32
      %dma_start3A_37 = tpu.memref_slice %arg5[%dma_start3A_36] : memref<1000000xf32, #tpu.memory_space<hbm>> -> memref<1000000xf32, #tpu.memory_space<hbm>>
      tpu.enqueue_indirect_dma source(%dma_start3A_37 : memref<1000000xf32, #tpu.memory_space<hbm>>) target(%dma_start3A_32 : memref<32xf32, #tpu.memory_space<vmem>>) offsets(%dma_start3A_35 : memref<32xi32, #tpu.memory_space<vmem>>) semaphore(%arg16 : memref<!tpu.dma_semaphore, #tpu.memory_space<semaphore_mem>>)
      %scan3A_38 = arith.constant 0 : i32
      scf.yield %scan3A_38 : i32
    }
    %scan3A_13 = arith.constant 128 : i32
    %dma_wait3A = arith.constant 0 : i32
    %dma_wait3A_14 = arith.constant 0 : i32
    %dma_wait3A_15 = tpu.memref_slice %arg6[%dma_wait3A, %dma_wait3A_14] : memref<32768x16xf32, #tpu.memory_space<hbm>> -> memref<4096x16xf32, #tpu.memory_space<hbm>>
    %dma_wait3A_16 = arith.constant 0 : i32
    %dma_wait3A_17 = arith.constant 0 : i32
    %dma_wait3A_18 = tpu.memref_slice %arg6[%dma_wait3A_16, %dma_wait3A_17] : memref<32768x16xf32, #tpu.memory_space<hbm>> -> memref<4096x16xf32, #tpu.memory_space<hbm>>
    tpu.wait_dma2 semaphore(%arg15 : memref<!tpu.dma_semaphore, #tpu.memory_space<semaphore_mem>>) src(%dma_wait3A_18 : memref<4096x16xf32, #tpu.memory_space<hbm>>) dst(%arg13 : memref<4096x16xf32, #tpu.memory_space<vmem>>)
    %dma_wait3A_19 = arith.constant 0 : i32
    %dma_wait3A_20 = arith.constant 0 : i32
    %dma_wait3A_21 = tpu.memref_slice %arg10[%dma_wait3A_19, %dma_wait3A_20] : memref<4096x32xf32, #tpu.memory_space<hbm>> -> memref<128x32xf32, #tpu.memory_space<hbm>>
    %dma_wait3A_22 = arith.constant 0 : i32
    %dma_wait3A_23 = arith.constant 0 : i32
    %dma_wait3A_24 = tpu.memref_slice %arg10[%dma_wait3A_22, %dma_wait3A_23] : memref<4096x32xf32, #tpu.memory_space<hbm>> -> memref<128x32xf32, #tpu.memory_space<hbm>>
    tpu.wait_dma2 semaphore(%arg16 : memref<!tpu.dma_semaphore, #tpu.memory_space<semaphore_mem>>) src(%dma_wait3A_24 : memref<128x32xf32, #tpu.memory_space<hbm>>) dst(%arg14 : memref<128x32xf32, #tpu.memory_space<vmem>>)
    %mul3A_25 = arith.constant 1024 : i32
    %mul3A_26 = arith.muli %add3A, %mul3A_25 : i32
    "tpu.region"() ({
      %run_scoped3A = tpu.sem_alloc : memref<!tpu.dma_semaphore, #tpu.memory_space<semaphore_mem>>
      %dma_start3A = arith.constant 0 : i32
      %dma_start3A_29 = arith.constant 0 : i32
      %dma_start3A_30 = tpu.memref_slice %arg13[%dma_start3A, %dma_start3A_29] : memref<4096x16xf32, #tpu.memory_space<vmem>> -> memref<1024x16xf32, #tpu.memory_space<vmem>>
      %dma_start3A_31 = arith.constant 0 : i32
      %dma_start3A_32 = tpu.memref_slice %arg6[%mul3A_26, %dma_start3A_31] : memref<32768x16xf32, #tpu.memory_space<hbm>> -> memref<1024x16xf32, #tpu.memory_space<hbm>>
      %dma_start3A_33 = arith.constant 0 : i32
      %dma_start3A_34 = tpu.memref_slice %arg6[%mul3A_26, %dma_start3A_33] : memref<32768x16xf32, #tpu.memory_space<hbm>> -> memref<1024x16xf32, #tpu.memory_space<hbm>>
      %dma_start3A_35 = arith.constant 0 : i32
      %dma_start3A_36 = arith.constant 0 : i32
      %dma_start3A_37 = tpu.memref_slice %arg13[%dma_start3A_35, %dma_start3A_36] : memref<4096x16xf32, #tpu.memory_space<vmem>> -> memref<1024x16xf32, #tpu.memory_space<vmem>>
      tpu.enqueue_dma source(%dma_start3A_37 : memref<1024x16xf32, #tpu.memory_space<vmem>>) target(%dma_start3A_34 : memref<1024x16xf32, #tpu.memory_space<hbm>>) target_semaphore(%run_scoped3A : memref<!tpu.dma_semaphore, #tpu.memory_space<semaphore_mem>>)
      %dma_wait3A_38 = arith.constant 0 : i32
      %dma_wait3A_39 = arith.constant 0 : i32
      %dma_wait3A_40 = tpu.memref_slice %arg13[%dma_wait3A_38, %dma_wait3A_39] : memref<4096x16xf32, #tpu.memory_space<vmem>> -> memref<1024x16xf32, #tpu.memory_space<vmem>>
      %dma_wait3A_41 = arith.constant 0 : i32
      %dma_wait3A_42 = tpu.memref_slice %arg6[%mul3A_26, %dma_wait3A_41] : memref<32768x16xf32, #tpu.memory_space<hbm>> -> memref<1024x16xf32, #tpu.memory_space<hbm>>
      %dma_wait3A_43 = arith.constant 0 : i32
      %dma_wait3A_44 = tpu.memref_slice %arg6[%mul3A_26, %dma_wait3A_43] : memref<32768x16xf32, #tpu.memory_space<hbm>> -> memref<1024x16xf32, #tpu.memory_space<hbm>>
      %dma_wait3A_45 = arith.constant 0 : i32
      %dma_wait3A_46 = arith.constant 0 : i32
      %dma_wait3A_47 = tpu.memref_slice %arg13[%dma_wait3A_45, %dma_wait3A_46] : memref<4096x16xf32, #tpu.memory_space<vmem>> -> memref<1024x16xf32, #tpu.memory_space<vmem>>
      tpu.wait_dma2 semaphore(%run_scoped3A : memref<!tpu.dma_semaphore, #tpu.memory_space<semaphore_mem>>) src(%dma_wait3A_47 : memref<1024x16xf32, #tpu.memory_space<vmem>>) dst(%dma_wait3A_44 : memref<1024x16xf32, #tpu.memory_space<hbm>>)
      tpu.yield
    }) : () -> ()
    "tpu.region"() ({
      %run_scoped3A = tpu.sem_alloc : memref<!tpu.dma_semaphore, #tpu.memory_space<semaphore_mem>>
      %dma_start3A = arith.constant 1024 : i32
      %dma_start3A_29 = arith.constant 0 : i32
      %dma_start3A_30 = tpu.memref_slice %arg13[%dma_start3A, %dma_start3A_29] : memref<4096x16xf32, #tpu.memory_space<vmem>> -> memref<1024x16xf32, #tpu.memory_space<vmem>>
      %dma_start3A_31 = arith.constant 0 : i32
      %dma_start3A_32 = tpu.memref_slice %arg7[%mul3A_26, %dma_start3A_31] : memref<32768x16xf32, #tpu.memory_space<hbm>> -> memref<1024x16xf32, #tpu.memory_space<hbm>>
      %dma_start3A_33 = arith.constant 0 : i32
      %dma_start3A_34 = tpu.memref_slice %arg7[%mul3A_26, %dma_start3A_33] : memref<32768x16xf32, #tpu.memory_space<hbm>> -> memref<1024x16xf32, #tpu.memory_space<hbm>>
      %dma_start3A_35 = arith.constant 1024 : i32
      %dma_start3A_36 = arith.constant 0 : i32
      %dma_start3A_37 = tpu.memref_slice %arg13[%dma_start3A_35, %dma_start3A_36] : memref<4096x16xf32, #tpu.memory_space<vmem>> -> memref<1024x16xf32, #tpu.memory_space<vmem>>
      tpu.enqueue_dma source(%dma_start3A_37 : memref<1024x16xf32, #tpu.memory_space<vmem>>) target(%dma_start3A_34 : memref<1024x16xf32, #tpu.memory_space<hbm>>) target_semaphore(%run_scoped3A : memref<!tpu.dma_semaphore, #tpu.memory_space<semaphore_mem>>)
      %dma_wait3A_38 = arith.constant 1024 : i32
      %dma_wait3A_39 = arith.constant 0 : i32
      %dma_wait3A_40 = tpu.memref_slice %arg13[%dma_wait3A_38, %dma_wait3A_39] : memref<4096x16xf32, #tpu.memory_space<vmem>> -> memref<1024x16xf32, #tpu.memory_space<vmem>>
      %dma_wait3A_41 = arith.constant 0 : i32
      %dma_wait3A_42 = tpu.memref_slice %arg7[%mul3A_26, %dma_wait3A_41] : memref<32768x16xf32, #tpu.memory_space<hbm>> -> memref<1024x16xf32, #tpu.memory_space<hbm>>
      %dma_wait3A_43 = arith.constant 0 : i32
      %dma_wait3A_44 = tpu.memref_slice %arg7[%mul3A_26, %dma_wait3A_43] : memref<32768x16xf32, #tpu.memory_space<hbm>> -> memref<1024x16xf32, #tpu.memory_space<hbm>>
      %dma_wait3A_45 = arith.constant 1024 : i32
      %dma_wait3A_46 = arith.constant 0 : i32
      %dma_wait3A_47 = tpu.memref_slice %arg13[%dma_wait3A_45, %dma_wait3A_46] : memref<4096x16xf32, #tpu.memory_space<vmem>> -> memref<1024x16xf32, #tpu.memory_space<vmem>>
      tpu.wait_dma2 semaphore(%run_scoped3A : memref<!tpu.dma_semaphore, #tpu.memory_space<semaphore_mem>>) src(%dma_wait3A_47 : memref<1024x16xf32, #tpu.memory_space<vmem>>) dst(%dma_wait3A_44 : memref<1024x16xf32, #tpu.memory_space<hbm>>)
      tpu.yield
    }) : () -> ()
    "tpu.region"() ({
      %run_scoped3A = tpu.sem_alloc : memref<!tpu.dma_semaphore, #tpu.memory_space<semaphore_mem>>
      %dma_start3A = arith.constant 2048 : i32
      %dma_start3A_29 = arith.constant 0 : i32
      %dma_start3A_30 = tpu.memref_slice %arg13[%dma_start3A, %dma_start3A_29] : memref<4096x16xf32, #tpu.memory_space<vmem>> -> memref<1024x16xf32, #tpu.memory_space<vmem>>
      %dma_start3A_31 = arith.constant 0 : i32
      %dma_start3A_32 = tpu.memref_slice %arg8[%mul3A_26, %dma_start3A_31] : memref<32768x16xf32, #tpu.memory_space<hbm>> -> memref<1024x16xf32, #tpu.memory_space<hbm>>
      %dma_start3A_33 = arith.constant 0 : i32
      %dma_start3A_34 = tpu.memref_slice %arg8[%mul3A_26, %dma_start3A_33] : memref<32768x16xf32, #tpu.memory_space<hbm>> -> memref<1024x16xf32, #tpu.memory_space<hbm>>
      %dma_start3A_35 = arith.constant 2048 : i32
      %dma_start3A_36 = arith.constant 0 : i32
      %dma_start3A_37 = tpu.memref_slice %arg13[%dma_start3A_35, %dma_start3A_36] : memref<4096x16xf32, #tpu.memory_space<vmem>> -> memref<1024x16xf32, #tpu.memory_space<vmem>>
      tpu.enqueue_dma source(%dma_start3A_37 : memref<1024x16xf32, #tpu.memory_space<vmem>>) target(%dma_start3A_34 : memref<1024x16xf32, #tpu.memory_space<hbm>>) target_semaphore(%run_scoped3A : memref<!tpu.dma_semaphore, #tpu.memory_space<semaphore_mem>>)
      %dma_wait3A_38 = arith.constant 2048 : i32
      %dma_wait3A_39 = arith.constant 0 : i32
      %dma_wait3A_40 = tpu.memref_slice %arg13[%dma_wait3A_38, %dma_wait3A_39] : memref<4096x16xf32, #tpu.memory_space<vmem>> -> memref<1024x16xf32, #tpu.memory_space<vmem>>
      %dma_wait3A_41 = arith.constant 0 : i32
      %dma_wait3A_42 = tpu.memref_slice %arg8[%mul3A_26, %dma_wait3A_41] : memref<32768x16xf32, #tpu.memory_space<hbm>> -> memref<1024x16xf32, #tpu.memory_space<hbm>>
      %dma_wait3A_43 = arith.constant 0 : i32
      %dma_wait3A_44 = tpu.memref_slice %arg8[%mul3A_26, %dma_wait3A_43] : memref<32768x16xf32, #tpu.memory_space<hbm>> -> memref<1024x16xf32, #tpu.memory_space<hbm>>
      %dma_wait3A_45 = arith.constant 2048 : i32
      %dma_wait3A_46 = arith.constant 0 : i32
      %dma_wait3A_47 = tpu.memref_slice %arg13[%dma_wait3A_45, %dma_wait3A_46] : memref<4096x16xf32, #tpu.memory_space<vmem>> -> memref<1024x16xf32, #tpu.memory_space<vmem>>
      tpu.wait_dma2 semaphore(%run_scoped3A : memref<!tpu.dma_semaphore, #tpu.memory_space<semaphore_mem>>) src(%dma_wait3A_47 : memref<1024x16xf32, #tpu.memory_space<vmem>>) dst(%dma_wait3A_44 : memref<1024x16xf32, #tpu.memory_space<hbm>>)
      tpu.yield
    }) : () -> ()
    "tpu.region"() ({
      %run_scoped3A = tpu.sem_alloc : memref<!tpu.dma_semaphore, #tpu.memory_space<semaphore_mem>>
      %dma_start3A = arith.constant 3072 : i32
      %dma_start3A_29 = arith.constant 0 : i32
      %dma_start3A_30 = tpu.memref_slice %arg13[%dma_start3A, %dma_start3A_29] : memref<4096x16xf32, #tpu.memory_space<vmem>> -> memref<1024x16xf32, #tpu.memory_space<vmem>>
      %dma_start3A_31 = arith.constant 0 : i32
      %dma_start3A_32 = tpu.memref_slice %arg9[%mul3A_26, %dma_start3A_31] : memref<32768x16xf32, #tpu.memory_space<hbm>> -> memref<1024x16xf32, #tpu.memory_space<hbm>>
      %dma_start3A_33 = arith.constant 0 : i32
      %dma_start3A_34 = tpu.memref_slice %arg9[%mul3A_26, %dma_start3A_33] : memref<32768x16xf32, #tpu.memory_space<hbm>> -> memref<1024x16xf32, #tpu.memory_space<hbm>>
      %dma_start3A_35 = arith.constant 3072 : i32
      %dma_start3A_36 = arith.constant 0 : i32
      %dma_start3A_37 = tpu.memref_slice %arg13[%dma_start3A_35, %dma_start3A_36] : memref<4096x16xf32, #tpu.memory_space<vmem>> -> memref<1024x16xf32, #tpu.memory_space<vmem>>
      tpu.enqueue_dma source(%dma_start3A_37 : memref<1024x16xf32, #tpu.memory_space<vmem>>) target(%dma_start3A_34 : memref<1024x16xf32, #tpu.memory_space<hbm>>) target_semaphore(%run_scoped3A : memref<!tpu.dma_semaphore, #tpu.memory_space<semaphore_mem>>)
      %dma_wait3A_38 = arith.constant 3072 : i32
      %dma_wait3A_39 = arith.constant 0 : i32
      %dma_wait3A_40 = tpu.memref_slice %arg13[%dma_wait3A_38, %dma_wait3A_39] : memref<4096x16xf32, #tpu.memory_space<vmem>> -> memref<1024x16xf32, #tpu.memory_space<vmem>>
      %dma_wait3A_41 = arith.constant 0 : i32
      %dma_wait3A_42 = tpu.memref_slice %arg9[%mul3A_26, %dma_wait3A_41] : memref<32768x16xf32, #tpu.memory_space<hbm>> -> memref<1024x16xf32, #tpu.memory_space<hbm>>
      %dma_wait3A_43 = arith.constant 0 : i32
      %dma_wait3A_44 = tpu.memref_slice %arg9[%mul3A_26, %dma_wait3A_43] : memref<32768x16xf32, #tpu.memory_space<hbm>> -> memref<1024x16xf32, #tpu.memory_space<hbm>>
      %dma_wait3A_45 = arith.constant 3072 : i32
      %dma_wait3A_46 = arith.constant 0 : i32
      %dma_wait3A_47 = tpu.memref_slice %arg13[%dma_wait3A_45, %dma_wait3A_46] : memref<4096x16xf32, #tpu.memory_space<vmem>> -> memref<1024x16xf32, #tpu.memory_space<vmem>>
      tpu.wait_dma2 semaphore(%run_scoped3A : memref<!tpu.dma_semaphore, #tpu.memory_space<semaphore_mem>>) src(%dma_wait3A_47 : memref<1024x16xf32, #tpu.memory_space<vmem>>) dst(%dma_wait3A_44 : memref<1024x16xf32, #tpu.memory_space<hbm>>)
      tpu.yield
    }) : () -> ()
    %mul3A_27 = arith.constant 128 : i32
    %mul3A_28 = arith.muli %add3A, %mul3A_27 : i32
    "tpu.region"() ({
      %run_scoped3A = tpu.sem_alloc : memref<!tpu.dma_semaphore, #tpu.memory_space<semaphore_mem>>
      %dma_start3A = arith.constant 0 : i32
      %dma_start3A_29 = tpu.memref_slice %arg10[%mul3A_28, %dma_start3A] : memref<4096x32xf32, #tpu.memory_space<hbm>> -> memref<128x32xf32, #tpu.memory_space<hbm>>
      %dma_start3A_30 = arith.constant 0 : i32
      %dma_start3A_31 = tpu.memref_slice %arg10[%mul3A_28, %dma_start3A_30] : memref<4096x32xf32, #tpu.memory_space<hbm>> -> memref<128x32xf32, #tpu.memory_space<hbm>>
      tpu.enqueue_dma source(%arg14 : memref<128x32xf32, #tpu.memory_space<vmem>>) target(%dma_start3A_31 : memref<128x32xf32, #tpu.memory_space<hbm>>) target_semaphore(%run_scoped3A : memref<!tpu.dma_semaphore, #tpu.memory_space<semaphore_mem>>)
      %dma_wait3A_32 = arith.constant 0 : i32
      %dma_wait3A_33 = tpu.memref_slice %arg10[%mul3A_28, %dma_wait3A_32] : memref<4096x32xf32, #tpu.memory_space<hbm>> -> memref<128x32xf32, #tpu.memory_space<hbm>>
      %dma_wait3A_34 = arith.constant 0 : i32
      %dma_wait3A_35 = tpu.memref_slice %arg10[%mul3A_28, %dma_wait3A_34] : memref<4096x32xf32, #tpu.memory_space<hbm>> -> memref<128x32xf32, #tpu.memory_space<hbm>>
      tpu.wait_dma2 semaphore(%run_scoped3A : memref<!tpu.dma_semaphore, #tpu.memory_space<semaphore_mem>>) src(%arg14 : memref<128x32xf32, #tpu.memory_space<vmem>>) dst(%dma_wait3A_35 : memref<128x32xf32, #tpu.memory_space<hbm>>)
      tpu.yield
    }) : () -> ()
    return
  }
}

module attributes {stable_mosaic.version = 14 : i64} {
  func.func @_tc_body(%arg0: i32, %arg1: memref<512x128xf32, #tpu.memory_space<vmem>>, %arg2: memref<512x128xf32, #tpu.memory_space<vmem>>, %arg3: memref<512x128xf32, #tpu.memory_space<vmem>>, %arg4: memref<512x128xf32, #tpu.memory_space<vmem>>, %arg5: memref<512x32xf32, #tpu.memory_space<vmem>>, %arg6: memref<1x1xf32, #tpu.memory_space<vmem>>, %arg7: memref<512x400xf32, #tpu.memory_space<vmem>>, %arg8: memref<1x400xf32, #tpu.memory_space<vmem>>, %arg9: memref<400x400xf32, #tpu.memory_space<vmem>>, %arg10: memref<1x400xf32, #tpu.memory_space<vmem>>, %arg11: memref<400x1xf32, #tpu.memory_space<vmem>>, %arg12: memref<512x16xf32, #tpu.memory_space<vmem>>, %arg13: memref<512x1xf32, #tpu.memory_space<vmem>>) attributes {dimension_semantics = [#tpu.dimension_semantics<arbitrary>], iteration_bounds = array<i64: 8>, scalar_prefetch = 0 : i64, scratch_operands = 0 : i64, tpu.core_type = #tpu.core_type<tc>, window_params = [{transform_indices = @transform_0, window_bounds = array<i64: 512, 128>}, {transform_indices = @transform_1, window_bounds = array<i64: 512, 128>}, {transform_indices = @transform_2, window_bounds = array<i64: 512, 128>}, {transform_indices = @transform_3, window_bounds = array<i64: 512, 128>}, {transform_indices = @transform_4, window_bounds = array<i64: 512, 32>}, {pipeline_mode = #tpu.pipeline_mode<synchronous>, transform_indices = @transform_5, window_bounds = array<i64: 1, 1>}, {pipeline_mode = #tpu.pipeline_mode<synchronous>, transform_indices = @transform_6, window_bounds = array<i64: 512, 400>}, {pipeline_mode = #tpu.pipeline_mode<synchronous>, transform_indices = @transform_7, window_bounds = array<i64: 1, 400>}, {pipeline_mode = #tpu.pipeline_mode<synchronous>, transform_indices = @transform_8, window_bounds = array<i64: 400, 400>}, {pipeline_mode = #tpu.pipeline_mode<synchronous>, transform_indices = @transform_9, window_bounds = array<i64: 1, 400>}, {pipeline_mode = #tpu.pipeline_mode<synchronous>, transform_indices = @transform_10, window_bounds = array<i64: 400, 1>}, {pipeline_mode = #tpu.pipeline_mode<synchronous>, transform_indices = @transform_11, window_bounds = array<i64: 512, 16>}, {transform_indices = @transform_12, window_bounds = array<i64: 512, 1>}]} {
    %iota3A = tpu.iota {dimensions = array<i32: 1>} : vector<1x128xi32>
    %lt3A = arith.constant 32 : i32
    %lt3A_0 = vector.broadcast %lt3A : i32 to vector<1x128xi32>
    %lt3A_1 = arith.cmpi slt, %iota3A, %lt3A_0 : vector<1x128xi32>
    %get3A = arith.constant 0 : index
    %get3A_2 = arith.constant 0 : index
    %get3A_3 = vector.load %arg4[%get3A, %get3A_2] : memref<512x128xf32, #tpu.memory_space<vmem>>, vector<512x128xf32>
    %jit3A = arith.constant 0.000000e+00 : f32
    %broadcast_in_dim3A = vector.shape_cast %lt3A_1 : vector<1x128xi1> to vector<1x128xi1>
    %broadcast_in_dim3A_4 = vector.broadcast %broadcast_in_dim3A : vector<1x128xi1> to vector<512x128xi1>
    %broadcast_in_dim3A_5 = vector.broadcast %jit3A : f32 to vector<512x128xf32>
    %select_n3A = arith.select %broadcast_in_dim3A_4, %get3A_3, %broadcast_in_dim3A_5 : vector<512x128xi1>, vector<512x128xf32>
    %get3A_6 = arith.constant 0 : index
    %get3A_7 = arith.constant 0 : index
    %get3A_8 = vector.load %arg1[%get3A_6, %get3A_7] : memref<512x128xf32, #tpu.memory_space<vmem>>, vector<512x128xf32>
    %get3A_9 = arith.constant 0 : index
    %get3A_10 = arith.constant 0 : index
    %get3A_11 = vector.load %arg2[%get3A_9, %get3A_10] : memref<512x128xf32, #tpu.memory_space<vmem>>, vector<512x128xf32>
    %get3A_12 = arith.constant 0 : index
    %get3A_13 = arith.constant 0 : index
    %get3A_14 = vector.load %arg3[%get3A_12, %get3A_13] : memref<512x128xf32, #tpu.memory_space<vmem>>, vector<512x128xf32>
    %concatenate3A = tpu.concatenate %get3A_8, %get3A_11, %get3A_14, %select_n3A in 1 : vector<512x128xf32>, vector<512x128xf32>, vector<512x128xf32>, vector<512x128xf32> -> vector<512x512xf32>
    %get3A_15 = arith.constant 0 : index
    %get3A_16 = arith.constant 0 : index
    %get3A_17 = vector.load %arg12[%get3A_15, %get3A_16] : memref<512x16xf32, #tpu.memory_space<vmem>>, vector<512x16xf32>
    %dot_general3A = arith.constant dense<0.000000e+00> : vector<512x16xf32>
    %dot_general3A_18 = tpu.matmul %concatenate3A, %get3A_17, %dot_general3A {dimension_numbers = #tpu.dot_dimension_numbers<[1], [0], [0], [1], [0, 0, 1, 1], [], []>, transpose_lhs_hint = false} : vector<512x512xf32>, vector<512x16xf32>, vector<512x16xf32> -> vector<512x16xf32>
    %mul3A = arith.mulf %dot_general3A_18, %dot_general3A_18 : vector<512x16xf32>
    %reduce_sum3A = arith.constant dense<0.000000e+00> : vector<512xf32>
    %reduce_sum3A_19 = vector.multi_reduction <add>, %mul3A, %reduce_sum3A [1] : vector<512x16xf32> to vector<512xf32>
    %broadcast_in_dim3A_20 = vector.shape_cast %reduce_sum3A_19 : vector<512xf32> to vector<512x1xf32>
    %mul3A_21 = arith.mulf %concatenate3A, %concatenate3A : vector<512x512xf32>
    %reduce_sum3A_22 = arith.constant dense<0.000000e+00> : vector<512xf32>
    %reduce_sum3A_23 = vector.multi_reduction <add>, %mul3A_21, %reduce_sum3A_22 [1] : vector<512x512xf32> to vector<512xf32>
    %broadcast_in_dim3A_24 = vector.shape_cast %reduce_sum3A_23 : vector<512xf32> to vector<512x1xf32>
    %sub3A = arith.subf %broadcast_in_dim3A_20, %broadcast_in_dim3A_24 : vector<512x1xf32>
    %mul3A_25 = arith.constant 5.000000e-01 : f32
    %mul3A_26 = vector.broadcast %mul3A_25 : f32 to vector<512x1xf32>
    %mul3A_27 = arith.mulf %sub3A, %mul3A_26 : vector<512x1xf32>
    %iota3A_28 = tpu.iota {dimensions = array<i32: 1>} : vector<1x32xi32>
    %lt3A_29 = arith.constant 26 : i32
    %lt3A_30 = vector.broadcast %lt3A_29 : i32 to vector<1x32xi32>
    %lt3A_31 = arith.cmpi slt, %iota3A_28, %lt3A_30 : vector<1x32xi32>
    %get3A_32 = arith.constant 0 : index
    %get3A_33 = arith.constant 0 : index
    %get3A_34 = vector.load %arg5[%get3A_32, %get3A_33] : memref<512x32xf32, #tpu.memory_space<vmem>>, vector<512x32xf32>
    %jit3A_35 = arith.constant 0.000000e+00 : f32
    %broadcast_in_dim3A_36 = vector.shape_cast %lt3A_31 : vector<1x32xi1> to vector<1x32xi1>
    %broadcast_in_dim3A_37 = vector.broadcast %broadcast_in_dim3A_36 : vector<1x32xi1> to vector<512x32xi1>
    %broadcast_in_dim3A_38 = vector.broadcast %jit3A_35 : f32 to vector<512x32xf32>
    %select_n3A_39 = arith.select %broadcast_in_dim3A_37, %get3A_34, %broadcast_in_dim3A_38 : vector<512x32xi1>, vector<512x32xf32>
    %reduce_sum3A_40 = arith.constant dense<0.000000e+00> : vector<512xf32>
    %reduce_sum3A_41 = vector.multi_reduction <add>, %select_n3A_39, %reduce_sum3A_40 [1] : vector<512x32xf32> to vector<512xf32>
    %broadcast_in_dim3A_42 = vector.shape_cast %reduce_sum3A_41 : vector<512xf32> to vector<512x1xf32>
    %get3A_43 = arith.constant 0 : index
    %get3A_44 = arith.constant 0 : index
    %get3A_45 = vector.load %arg7[%get3A_43, %get3A_44] : memref<512x400xf32, #tpu.memory_space<vmem>>, vector<512x400xf32>
    %dot_general3A_46 = arith.constant dense<0.000000e+00> : vector<512x400xf32>
    %dot_general3A_47 = tpu.matmul %concatenate3A, %get3A_45, %dot_general3A_46 {dimension_numbers = #tpu.dot_dimension_numbers<[1], [0], [0], [1], [0, 0, 1, 1], [], []>, transpose_lhs_hint = false} : vector<512x512xf32>, vector<512x400xf32>, vector<512x400xf32> -> vector<512x400xf32>
    %get3A_48 = arith.constant 0 : index
    %get3A_49 = arith.constant 0 : index
    %get3A_50 = vector.load %arg8[%get3A_48, %get3A_49] : memref<1x400xf32, #tpu.memory_space<vmem>>, vector<1x400xf32>
    %add3A = vector.broadcast %get3A_50 : vector<1x400xf32> to vector<512x400xf32>
    %add3A_51 = arith.addf %dot_general3A_47, %add3A : vector<512x400xf32>
    %max3A = arith.constant 0.000000e+00 : f32
    %max3A_52 = vector.broadcast %max3A : f32 to vector<512x400xf32>
    %max3A_53 = arith.maximumf %add3A_51, %max3A_52 : vector<512x400xf32>
    %get3A_54 = arith.constant 0 : index
    %get3A_55 = arith.constant 0 : index
    %get3A_56 = vector.load %arg9[%get3A_54, %get3A_55] : memref<400x400xf32, #tpu.memory_space<vmem>>, vector<400x400xf32>
    %dot_general3A_57 = arith.constant dense<0.000000e+00> : vector<512x400xf32>
    %dot_general3A_58 = tpu.matmul %max3A_53, %get3A_56, %dot_general3A_57 {dimension_numbers = #tpu.dot_dimension_numbers<[1], [0], [0], [1], [0, 0, 1, 1], [], []>, transpose_lhs_hint = false} : vector<512x400xf32>, vector<400x400xf32>, vector<512x400xf32> -> vector<512x400xf32>
    %get3A_59 = arith.constant 0 : index
    %get3A_60 = arith.constant 0 : index
    %get3A_61 = vector.load %arg10[%get3A_59, %get3A_60] : memref<1x400xf32, #tpu.memory_space<vmem>>, vector<1x400xf32>
    %add3A_62 = vector.broadcast %get3A_61 : vector<1x400xf32> to vector<512x400xf32>
    %add3A_63 = arith.addf %dot_general3A_58, %add3A_62 : vector<512x400xf32>
    %max3A_64 = arith.constant 0.000000e+00 : f32
    %max3A_65 = vector.broadcast %max3A_64 : f32 to vector<512x400xf32>
    %max3A_66 = arith.maximumf %add3A_63, %max3A_65 : vector<512x400xf32>
    %get3A_67 = arith.constant 0 : index
    %get3A_68 = arith.constant 0 : index
    %get3A_69 = vector.load %arg11[%get3A_67, %get3A_68] : memref<400x1xf32, #tpu.memory_space<vmem>>, vector<400x1xf32>
    %dot_general3A_70 = arith.constant dense<0.000000e+00> : vector<512x1xf32>
    %dot_general3A_71 = tpu.matmul %max3A_66, %get3A_69, %dot_general3A_70 {dimension_numbers = #tpu.dot_dimension_numbers<[1], [0], [0], [1], [0, 0, 1, 1], [], []>, transpose_lhs_hint = false} : vector<512x400xf32>, vector<400x1xf32>, vector<512x1xf32> -> vector<512x1xf32>
    %get3A_72 = arith.constant 0 : index
    %get3A_73 = arith.constant 0 : index
    %get3A_74 = vector.load %arg6[%get3A_72, %get3A_73] : memref<1x1xf32, #tpu.memory_space<vmem>>, vector<1x1xf32>
    %add3A_75 = vector.broadcast %get3A_74 : vector<1x1xf32> to vector<512x1xf32>
    %add3A_76 = arith.addf %dot_general3A_71, %add3A_75 : vector<512x1xf32>
    %add3A_77 = arith.addf %add3A_76, %broadcast_in_dim3A_42 : vector<512x1xf32>
    %add3A_78 = arith.addf %add3A_77, %mul3A_27 : vector<512x1xf32>
    %neg3A = arith.constant 0.000000e+00 : f32
    %neg3A_79 = vector.broadcast %neg3A : f32 to vector<512x1xf32>
    %neg3A_80 = arith.subf %neg3A_79, %add3A_78 : vector<512x1xf32>
    %exp3A = math.exp %neg3A_80 : vector<512x1xf32>
    %add3A_81 = arith.constant 1.000000e+00 : f32
    %add3A_82 = vector.broadcast %add3A_81 : f32 to vector<512x1xf32>
    %add3A_83 = arith.addf %add3A_82, %exp3A : vector<512x1xf32>
    %div3A = arith.constant 1.000000e+00 : f32
    %div3A_84 = vector.broadcast %div3A : f32 to vector<512x1xf32>
    %div3A_85 = arith.divf %div3A_84, %add3A_83 : vector<512x1xf32>
    %swap3A = arith.constant 0 : index
    %swap3A_86 = arith.constant 0 : index
    %swap3A_87 = vector.load %arg13[%swap3A, %swap3A_86] : memref<512x1xf32, #tpu.memory_space<vmem>>, vector<512x1xf32>
    tpu.vector_store %arg13[%swap3A, %swap3A_86], %div3A_85 {strides = array<i32>} : memref<512x1xf32, #tpu.memory_space<vmem>>, vector<512x1xf32>,
    return
  }
  func.func @transform_0(%arg0: i32) -> (i32, i32) {
    %c0_i32 = arith.constant 0 : i32
    %c0_i32_0 = arith.constant 0 : i32
    return %arg0, %c0_i32 : i32, i32
  }
  func.func @transform_1(%arg0: i32) -> (i32, i32) {
    %c0_i32 = arith.constant 0 : i32
    %c0_i32_0 = arith.constant 0 : i32
    return %arg0, %c0_i32 : i32, i32
  }
  func.func @transform_2(%arg0: i32) -> (i32, i32) {
    %c0_i32 = arith.constant 0 : i32
    %c0_i32_0 = arith.constant 0 : i32
    return %arg0, %c0_i32 : i32, i32
  }
  func.func @transform_3(%arg0: i32) -> (i32, i32) {
    %c0_i32 = arith.constant 0 : i32
    %c0_i32_0 = arith.constant 0 : i32
    return %arg0, %c0_i32 : i32, i32
  }
  func.func @transform_4(%arg0: i32) -> (i32, i32) {
    %c0_i32 = arith.constant 0 : i32
    %c0_i32_0 = arith.constant 0 : i32
    return %arg0, %c0_i32 : i32, i32
  }
  func.func @transform_5(%arg0: i32) -> (i32, i32) {
    %c0_i32 = arith.constant 0 : i32
    %c0_i32_0 = arith.constant 0 : i32
    %c0_i32_1 = arith.constant 0 : i32
    return %c0_i32, %c0_i32_0 : i32, i32
  }
  func.func @transform_6(%arg0: i32) -> (i32, i32) {
    %c0_i32 = arith.constant 0 : i32
    %c0_i32_0 = arith.constant 0 : i32
    %c0_i32_1 = arith.constant 0 : i32
    return %c0_i32, %c0_i32_0 : i32, i32
  }
  func.func @transform_7(%arg0: i32) -> (i32, i32) {
    %c0_i32 = arith.constant 0 : i32
    %c0_i32_0 = arith.constant 0 : i32
    %c0_i32_1 = arith.constant 0 : i32
    return %c0_i32, %c0_i32_0 : i32, i32
  }
  func.func @transform_8(%arg0: i32) -> (i32, i32) {
    %c0_i32 = arith.constant 0 : i32
    %c0_i32_0 = arith.constant 0 : i32
    %c0_i32_1 = arith.constant 0 : i32
    return %c0_i32, %c0_i32_0 : i32, i32
  }
  func.func @transform_9(%arg0: i32) -> (i32, i32) {
    %c0_i32 = arith.constant 0 : i32
    %c0_i32_0 = arith.constant 0 : i32
    %c0_i32_1 = arith.constant 0 : i32
    return %c0_i32, %c0_i32_0 : i32, i32
  }
  func.func @transform_10(%arg0: i32) -> (i32, i32) {
    %c0_i32 = arith.constant 0 : i32
    %c0_i32_0 = arith.constant 0 : i32
    %c0_i32_1 = arith.constant 0 : i32
    return %c0_i32, %c0_i32_0 : i32, i32
  }
  func.func @transform_11(%arg0: i32) -> (i32, i32) {
    %c0_i32 = arith.constant 0 : i32
    %c0_i32_0 = arith.constant 0 : i32
    %c0_i32_1 = arith.constant 0 : i32
    return %c0_i32, %c0_i32_0 : i32, i32
  }
  func.func @transform_12(%arg0: i32) -> (i32, i32) {
    %c0_i32 = arith.constant 0 : i32
    %c0_i32_0 = arith.constant 0 : i32
    return %arg0, %c0_i32 : i32, i32
  }
}

</mosaic_0001>

<sc_bundles>
// kernel: kernel.5.cloned.1.call-start
scs
__scs_entry_jumppad:
0x0: {  	(pc) =	sbr.rel $0x88, $3  }
0x1: {  	(tag) =	ssettag $0x0;
	lr =	simm.s32 $0x1  }
0x2: {  	[smem:$0x3F98] =	sst lr;
	_ =	strace $0xD0000000  }
0x3: {  	_ = 	snop  }
0x4: {  	_ = 	snop  }
0x5: {  	_ = 	snop  }
0x6: {  	_ = 	snop  }
0x7: {  	_ = 	snop  }
__scs_overlays_trampoline_lowered:
0x8: {  	[smem:$0x3FA7] =	sst s0  }
0x9: {  	[smem:$0x3FA8] =	sst s1  }
0xa: {  	[smem:$0x3FA9] =	sst s2  }
0xb: {  	[smem:$0x3FAA] =	sst s3  }
0xc: {  	[smem:$0x3FAB] =	sst s4  }
0xd: {  	[smem:$0x3FAC] =	sst s5  }
0xe: {  	[smem:$0x3FAD] =	sst s6  }
0xf: {  	[smem:$0x3FAE] =	sst s7  }
0x10: {  	[smem:$0x3FAF] =	sst s8  }
0x11: {  	[smem:$0x3FB0] =	sst s9;
	s0 =	simm.s32 @!p0 $0x0  }
0x12: {  	s1 =	sld [smem:$0x3F96];
	s0 =	simm.s32 @p0 $0x1  }
0x13: {  	[smem:$0x3FB1] =	sst s0;
	s0 =	simm.s32 @!p1 $0x0  }
0x14: {  	s2 =	sld [smem:$0x3F95];
	s0 =	simm.s32 @p1 $0x1  }
0x15: {  	[smem:$0x3FB2] =	sst s0;
	s0 =	simm.s32 @!p2 $0x0  }
0x16: {  	s3 =	sld [smem:$0x3FDB];
	s0 =	simm.s32 @p2 $0x1  }
0x17: {  	s4 =	simm.s32 $0x1BF5;
	[smem:$0x3FB4] =	sst s0  }
0x18: {  	s0 =	sld [smem:$0x3F97];
	_ =	swait.ge [sflag:s4], $0x0  }
0x19: {  	s7 =	sld [smem:$0x3F98]  }
0x1a: {  	s8 =	sadd.s32 $0xFFFFE003, lr  }
0x1b: {  	s9 =	sadd.s32 $0xFFFFFEF7, lr;
	s5 =	simm.s32 $0xFFFFFFFF;
	p2 =	slt.u32 s8, $0xFFFFF086  }
0x1c: {  	p1 =	slt.u32 s9, $0xF7A;
	s5 =	simm.s32 @!p2 $0x0  }
0x1d: {  	s5 =	simm.s32 @p1 $0x1;
	p0 =	seq.s32 s7, s2  }
0x1e: {  	s7 =	smul.u32 @!p0 $0xF7A, s2;
	p2 =	seq.s32 @!p0 s5, $0x0  }
0x1f: {  	s9 =	smul.u32 $0xF7A, s1;
	s8 =	simm.s32 @!p0 $0x1BF5;
	p2 =	por !p2, p0  }
0x20: {  	[sflag:s8] =	ssyncset.s32 @!p0 $0xFFFFF086;
	s6 =	sadd.s32 @!p0 s3, s7;
	s7 =	simm.s32 @!p0 $0x108  }
0x21: {  	s3 =	sadd.s32 s3, s9;
	s6 =	sadd.s32 @!p0 $0x88, s6;
	s7 =	simm.s32 @p2 $0x1082  }
0x22: {  	[simem:s7], [sflag:s8] =	dma.local @!p0 [hbm:s6], $0xF7A  }
0x23: {  	s9 =	sor.u32 $0xD0000000, s2;
	s6 =	simm.s32 $0x108;
	_ =	swait.ge @!p0 [sflag:s8], $0x0  }
0x24: {  	s3 =	sadd.s32 $0x88, s3;
	s6 =	simm.s32 @!p1 $0x1082;
	[sflag:s4] =	ssyncset.s32 $0xFFFFF086  }
0x25: {  	[simem:s6], [sflag:s4] =	dma.local [hbm:s3], $0xF7A  }
0x26: {  	[smem:$0x3F98] =	sst s1;
	(tag) =	ssettag s2;
	_ =	strace s9  }
0x27: {  	s1 =	sld [smem:$0x3FA8]  }
0x28: {  	s2 =	sld [smem:$0x3FA9]  }
0x29: {  	s4 =	sld [smem:$0x3FAB]  }
0x2a: {  	p0 =	seq.s32 s5, $0x0;
	s5 =	sld [smem:$0x3FAC]  }
0x2b: {  	s6 =	sld [smem:$0x3FAD]  }
0x2c: {  	s7 =	sld [smem:$0x3FAE]  }
0x2d: {  	s3 =	simm.s32 $0x108;
	s8 =	sld [smem:$0x3FAF]  }
0x2e: {  	s3 =	simm.s32 @!p0 $0x1082;
	s9 =	sld [smem:$0x3FB0]  }
0x2f: {  	lr =	sadd.s32 s0, s3;
	s0 =	sld [smem:$0x3FA7]  }
0x30: {  	s3 =	sld [smem:$0x3FAA]  }
0x31: {  	[smem:$0x3FB3] =	sst s10  }
0x32: {  	s10 =	sld [smem:$0x3FB1];
	_ =	sdelay $0x3  }
0x33: {  	p0 =	seq.s32 s10, $0x1;
	s10 =	sld [smem:$0x3FB3];
	_ =	sdelay $0x3  }
0x34: {  	[smem:$0x3FB3] =	sst s10  }
0x35: {  	s10 =	sld [smem:$0x3FB2];
	_ =	sdelay $0x3  }
0x36: {  	p1 =	seq.s32 s10, $0x1;
	s10 =	sld [smem:$0x3FB3];
	_ =	sdelay $0x3  }
0x37: {  	[smem:$0x3FB3] =	sst s10  }
0x38: {  	s10 =	sld [smem:$0x3FB4]  }
0x39: {  	_ = 	snop;
	(pc) =	sbr.ind lr, $3  }
0x3a: {  	_ = 	snop  }
0x3b: {  	_ = 	snop  }
0x3c: {  	p2 =	seq.s32 s10, $0x1;
	s10 =	sld [smem:$0x3FB3]  }
0x3d: {  	_ =	shalt  }
0x3e: {  	_ =	shalt  }
0x3f: {  	_ =	shalt  }
0x40: {  	_ =	shalt  }
0x41: {  	_ =	shalt  }
0x42: {  	_ =	shalt  }
0x43: {  	_ =	shalt  }
0x44: {  	_ =	shalt  }
0x45: {  	_ =	shalt  }
0x46: {  	_ =	shalt  }
0x47: {  	_ =	shalt  }
0x48: {  	_ =	shalt  }
0x49: {  	_ =	shalt  }
0x4a: {  	_ =	shalt  }
0x4b: {  	_ =	shalt  }
0x4c: {  	_ =	shalt  }
0x4d: {  	_ =	shalt  }
0x4e: {  	_ =	shalt  }
0x4f: {  	_ =	shalt  }
0x50: {  	_ =	shalt  }
0x51: {  	_ =	shalt  }
0x52: {  	_ =	shalt  }
0x53: {  	_ =	shalt  }
0x54: {  	_ =	shalt  }
0x55: {  	_ =	shalt  }
0x56: {  	_ =	shalt  }
0x57: {  	_ =	shalt  }
0x58: {  	_ =	shalt  }
0x59: {  	_ =	shalt  }
0x5a: {  	_ =	shalt  }
0x5b: {  	_ =	shalt  }
0x5c: {  	_ =	shalt  }
0x5d: {  	_ =	shalt  }
0x5e: {  	_ =	shalt  }
0x5f: {  	_ =	shalt  }
0x60: {  	_ =	shalt  }
0x61: {  	_ =	shalt  }
0x62: {  	_ =	shalt  }
0x63: {  	_ =	shalt  }
0x64: {  	_ =	shalt  }
0x65: {  	_ =	shalt  }
0x66: {  	_ =	shalt  }
0x67: {  	_ =	shalt  }
0x68: {  	_ =	shalt  }
0x69: {  	_ =	shalt  }
0x6a: {  	_ =	shalt  }
0x6b: {  	_ =	shalt  }
0x6c: {  	_ =	shalt  }
0x6d: {  	_ =	shalt  }
0x6e: {  	_ =	shalt  }
0x6f: {  	_ =	shalt  }
0x70: {  	_ =	shalt  }
0x71: {  	_ =	shalt  }
0x72: {  	_ =	shalt  }
0x73: {  	_ =	shalt  }
0x74: {  	_ =	shalt  }
0x75: {  	_ =	shalt  }
0x76: {  	_ =	shalt  }
0x77: {  	_ =	shalt  }
0x78: {  	_ =	shalt  }
0x79: {  	_ =	shalt  }
0x7a: {  	_ =	shalt  }
0x7b: {  	_ =	shalt  }
0x7c: {  	_ =	shalt  }
0x7d: {  	_ =	shalt  }
0x7e: {  	_ =	shalt  }
0x7f: {  	_ =	shalt  }
0x80: {  	_ =	shalt  }
0x81: {  	_ =	shalt  }
0x82: {  	_ =	shalt  }
0x83: {  	_ =	shalt  }
0x84: {  	_ =	shalt  }
0x85: {  	_ =	shalt  }
0x86: {  	_ =	shalt  }
0x87: {  	_ =	shalt  }
.Lfunc_end0:
.L_simem_size_0:
called_computation_lowered:
.L_overlay_start_0:
0x88: {  	s2 =	sld [smem:$0x3FD9]  }
0x89: {  	s3 =	sld [smem:$0x3FFE];
	_ =	sdelay $0x1  }
0x8a: {  	s1 =	srdreg.scid  }
0x8b: {  	s0 =	sand.u32 $0x1, s1  }
0x8c: {  	s17 =	sshll.u32 s0, $0xA;
	s2 =	sadd.s32 s3, s2  }
0x8d: {  	s2 =	sadd.s32 s2, s17  }
0x8e: {  	[smem:$0x3FBF] =	sst s2  }
0x8f: {  	_ = 	snop  }
0x90: {  	s2 =	sld [smem:$0x3FC8]  }
0x91: {  	s18 =	sld [smem:$0x3FD0];
	(tm) =	ssettm $0x1  }
0x92: {  	s4 =	sld [smem:$0x3FFB];
	_ =	sdelay $0x3  }
0x93: {  	_ =	strace s4  }
0x94: {  	s4 =	sld [smem:$0x3FFC];
	_ =	sdelay $0x3  }
0x95: {  	_ =	strace s4  }
0x96: {  	s4 =	sld [smem:$0x3FFD];
	_ =	sdelay $0x3  }
0x97: {  	_ =	strace s4  }
0x98: {  	_ =	strace $0x8FFFFFFF  }
0x99: {  	s19 =	sld [smem:$0x3FDB];
	_ =	sdelay $0x1  }
0x9a: {  	s5 =	simm.s32 $_scs_section_size  }
0x9b: {  	s6 =	simm.s32 $_size__tile_overlayer_lowered;
	s7 =	simm.s32 $_tile_overlayer_lowered  }
0x9c: {  	s22 =	simm.s32 $0x1BFF;
	s21 =	sshll.u32 s7, $0x1;
	s4 =	sadd.s32 s5, s19  }
0x9d: {  	s8 =	simm.s32 $0x0;
	s20 =	sshll.u32 s6, $0x1;
	s6 =	sadd.s32 s21, s4  }
0x9e: {  	[timem:s8], [sflag:s22] =	dma.local [hbm:s6], s20  }
0x9f: {  	_ =	swait.ge [sflag:s22], s20  }
0xa0: {  	s5 =	ssub.s32 $0x0, s20;
	[sflag:s22] =	ssyncset.done $0x0  }
0xa1: {  	[sflag:s22] =	ssyncadd.s32 s5;
	_ =	sdelay $0x1  }
0xa2: {  	s23 =	simm.s32 $0x1B8B  }
0xa3: {  	_ =	swait.ge [sflag:s23], $0x1  }
0xa4: {  	[sflag:s23] =	ssyncset.done $0x0  }
0xa5: {  	s25 =	simm.s32 $0x1B8E;
	s24 =	sld [smem:$0x3FFE];
	[sflag:s23] =	ssyncadd.s32 $0xFFFFFFFF  }
0xa6: {  	s26 =	simm.s32 $execute0_lowered;
	[smem:$0x3FD2] =	sst s25  }
0xa7: {  	s6 =	sshll.u32 s26, $0x1;
	_ =	strace $0x80000046;
	[dreg:$0x1] =	wrdreg $0xFFFFFFFF  }
0xa8: {  	s28 =	simm.s32 $_size_execute0_lowered;
	s4 =	sadd.s32 s4, s6;
	[dreg:$0x0] =	wrdreg $0x0  }
0xa9: {  	s6 =	sshll.u32 s28, $0x1;
	[dreg:$0x2] =	wrdreg s4  }
0xaa: {  	[dreg:$0x3] =	wrdreg s6  }
0xab: {  	[dreg:$0x4] =	wrdreg $0xC0  }
0xac: {  	_ =	task [dreg:s8], $0x5FFFF  }
0xad: {  	[dreg:$0x1] =	wrdreg $0xFFFFFFFF  }
0xae: {  	[dreg:$0x0] =	wrdreg $0x60  }
0xaf: {  	[dreg:$0x2] =	wrdreg s2  }
0xb0: {  	[dreg:$0x3] =	wrdreg s18  }
0xb1: {  	[dreg:$0x4] =	wrdreg s24  }
0xb2: {  	[dreg:$0x5] =	wrdreg $0x9  }
0xb3: {  	_ =	task.clear_ibuf [dreg:s8], $0x6FFFF;
	_ =	strace $0x90000046  }
0xb4: {  	s29 =	simm.s32 $0x9;
	_ =	strace $0x80000048  }
0xb5: {  	_ =	swait.ge [sflag:s29], $0x1  }
0xb6: {  	[sflag:s29] =	ssyncadd.s32 $0xFFFFFFFF  }
0xb7: {  	_ =	strace $0x90000048  }
0xb8: {  	_ =	sfence  }
0xb9: {  	s30 =	sld [smem:$0x0];
	_ =	sdelay $0x2  }
0xba: {  	s31 =	sshll.u32 s1, $0xD;
	s1 =	sshrl.u32 s1, $0x2  }
0xbb: {  	s3 =	sand.u32 $0x4000, s31;
	s1 =	sadd.s32 s1, s30  }
0xbc: {  	s0 =	sor.u32 s3, s0;
	s1 =	sshll.u32 s1, $0x11  }
0xbd: {  	s0 =	sor.u32 s1, s0  }
0xbe: {  	s0 =	sadd.s32 $0x8F2B, s0  }
0xbf: {  	[sflag:s0] =	ssyncadd.remote.s32 $0x1  }
0xc0: {  	_ =	sfence.sel $0xFFFF  }
0xc1: {  	[dreg:$0x0] =	wrdreg $0xFFFFFFFF;
	(pc) =	sbr.abs _section_cstart, $3  }
0xc2: {  	[dreg:$0x1] =	wrdreg $0xFFFFFFFF  }
0xc3: {  	_ =	task.clear_ibuf [dreg:s8], $0x2FFFF;
	_ =	strace $0x9FFFFFFF  }
0xc4: {  	(tm) =	ssettm $0x7FFFFFFF  }
0xc5: {  	_ =	shalt  }
tec
execute0_lowered:
.L_overlay_start_1:
0x0: {  	(tag) =	ssettag $0x1  }
0x1: {  	v0 =	vimm.s32 $0x1380;
	vm0 =	vcmask $0x300;
	v1 =	vimm.s32 $0x1383  }
0x2: {  	vm1 =	vcmask $0x704;
	v0 =	vsel vm0, $0x0, v0;
	v1 =	vsel vm0, $0x3, v1  }
0x3: {  	s0 =	rddreg [dreg:$0x0];
	vm15 =	vcmask $0xB08;
	v0 =	vsel vm1, $0x80, v0;
	v1 =	vsel vm1, $0x83, v1  }
0x4: {  	s1 =	rddreg [dreg:$0x1];
	vm4 =	vcmask $0xF0C;
	v0 =	vsel vm15, $0x100, v0;
	v1 =	vsel vm15, $0x103, v1  }
0x5: {  	s9 =	rddreg [dreg:$0x2];
	vm5 =	vcmask $0x1310;
	v0 =	vsel vm4, $0x180, v0;
	v1 =	vsel vm4, $0x183, v1  }
0x6: {  	s2 =	rddreg [dreg:$0x3];
	s5 =	srdreg.scid;
	vm6 =	vcmask $0x1714;
	s4 =	simm.s32 $0x0;
	v0 =	vsel vm5, $0x200, v0;
	v1 =	vsel vm5, $0x203, v1  }
0x7: {  	s3 =	stileid.u32;
	vm7 =	vcmask $0x1B18;
	s12 =	simm.s32 $0x7A1400;
	s13 =	simm.s32 $0x1;
	v0 =	vsel vm6, $0x280, v0;
	v1 =	vsel vm6, $0x283, v1  }
0x8: {  	vm8 =	vcmask $0x1F1C;
	s14 =	simm.s32 $0x4000;
	s15 =	simm.s32 $0x2;
	s16 =	simm.s32 $0x2000;
	v0 =	vsel vm7, $0x300, v0;
	v1 =	vsel vm7, $0x303, v1  }
0x9: {  	vm9 =	vcmask $0x2320;
	s17 =	simm.s32 $0x6000;
	s19 =	simm.s32 $0x4;
	s20 =	simm.s32 $0x0;
	v0 =	vsel vm8, $0x380, v0;
	v1 =	vsel vm8, $0x383, v1  }
0xa: {  	vm10 =	vcmask $0x2724;
	s5 =	sand.u32 $0x1, s5;
	[smem:$0x7FF] =	sst s4;
	s6 =	sshll.u32 s3, $0x1;
	v0 =	vsel vm9, $0x1000, v0;
	v1 =	vsel vm9, $0x1003, v1  }
0xb: {  	vm11 =	vcmask $0x2B28;
	s7 =	ssub.s32 $0x2, s5;
	_ =	strace $0x80000047;
	s18 =	sor.u32 s5, s6;
	v0 =	vsel vm10, $0x1080, v0;
	v1 =	vsel vm10, $0x1083, v1  }
.Ltmp0:
0xc: {  	vm12 =	vcmask $0x2F2C;
	s5 =	simm.s32 $0x3E;
	s6 =	sadd.s32 $0x1E00, s9;
	v0 =	vsel vm11, $0x1100, v0;
	v1 =	vsel vm11, $0x1103, v1;
	(pc) =	sbr.rel .LBB2_1-.Ltmp0, $4  }
0xd: {  	vm13 =	vcmask $0x3330;
	s9 =	sadd.s32 $0x1EA200, s9;
	s8 =	sshrl.u32 s7, $0x1;
	p0 =	seq.s32 s18, $0x0;
	v0 =	vsel vm12, $0x1180, v0;
	v1 =	vsel vm12, $0x1183, v1  }
0xe: {  	vm14 =	vcmask $0x3734;
	s10 =	smul.u32 $0x7A00, s18;
	s11 =	ssub.s32 s7, s8;
	s5 =	simm.s32 @!p0 $0x3D;
	v0 =	vsel vm13, $0x1200, v0;
	v1 =	vsel vm13, $0x1203, v1  }
0xf: {  	vm15 =	vcmask $0x3B38;
	s8 =	smul.u32 $0x3D, s18;
	p0 =	sne.s32 s18, $0x1F;
	s18 =	simm.s32 $0x3;
	v0 =	vsel vm14, $0x1280, v0;
	v1 =	vsel vm14, $0x1283, v1  }
0x10: {  	s7 =	sadd.s32 s0, s10;
	s10 =	smax.u32 s11, $0x1;
	s11 =	simm.s32 $0x1000;
	v0 =	vsel vm15, $0x1300, v0;
	v1 =	vsel vm15, $0x1303, v1  }
.LBB2_9:
0x11: {  	_ =	swait.ge [sflag:s18], $0x2000  }
0x12: {  	[sflag:s18] =	ssyncset.done $0x0  }
0x13: {  	[sflag:s18] =	ssyncadd.s32 $0xFFFFE000  }
0x14: {  	_ =	swait.ge [sflag:s19], $0x2000  }
0x15: {  	[sflag:s19] =	ssyncset.done $0x0  }
0x16: {  	s21 =	simm.s32 @!p0 $0x0;
	s22 =	simm.s32 @!p0 $0x5;
	[sflag:s19] =	ssyncadd.s32 $0xFFFFE000  }
0x17: {  	[tilespmem:s21], [sflag:$0x5] =	stream.linear.gather @!p0 [hbm4b:s1+s21], $0x400, $0x38;
	[tilespmem:$0x8000] =	vst v63  }
0x18: {  	s20 =	sadd.s32 $0x1, s20;
	_ =	swait.ge @!p0 [sflag:s22], $0x400  }
0x19: {  	p1 =	sne.s32 s20, s10;
	[sflag:s22] =	ssyncset.done @!p0 $0x0  }
.Ltmp1:
0x1a: {  	[sflag:s22] =	ssyncadd.s32 @!p0 $0xFFFFFC00;
	(pc) =	sbr.rel @!p1 .LBB2_10-.Ltmp1, $4  }
0x1b: {  	[hbm4b:s9+s21] =	stream.linear.scatter @!p0 [tilespmem:s21], [sflag:$0x5], $0x400, $0x38;
	[tilespmem:$0x8000] =	vst v63  }
0x1c: {  	_ =	swait.ge @!p0 [sflag:s22], $0x400  }
0x1d: {  	[sflag:s22] =	ssyncset.done @!p0 $0x0  }
0x1e: {  	[sflag:s22] =	ssyncadd.s32 @!p0 $0xFFFFFC00  }
.LBB2_1:
.Ltmp2:
0x1f: {  	(pc) =	sbr.rel .LBB2_2-.Ltmp2, $3  }
0x20: {  	_ =	sdelay $0x1  }
0x21: {  	[tilespmem:s4], [sflag:$0x1] =	stream.strided.gather [hbm4b:s7+s11], $0x2000, s12, s11, $0x38;
	[tilespmem:$0x8000] =	vst v63  }
0x22: {  	s21 =	simm.s32 $0x0  }
.LBB2_8:
0x23: {  	s21 =	sadd.s32 $0x1, s21  }
0x24: {  	p1 =	sne.s32 s21, $0x1F  }
.Ltmp3:
0x25: {  	_ = 	snop;
	(pc) =	sbr.rel @!p1 .LBB2_9-.Ltmp3, $1  }
0x26: {  	_ =	sdelay $0x3  }
.LBB2_2:
0x27: {  	s22 =	sshllo.u32 s21, $0x1  }
0x28: {  	p1 =	sge.u32 s22, s5  }
0x29: {  	s23 =	sadd.s32 @!p1 s8, s22  }
0x2a: {  	p2 =	seq.s32 @!p1 s21, $0x1E;
	s23 =	sshll.u32 @!p1 s23, $0x9  }
0x2b: {  	p2 =	por !p2, p1;
	s23 =	sand.u32 @!p1 $0x1FFFFE00, s23  }
0x2c: {  	v2 =	vimm.s32 $0x0;
	s24 =	simm.s32 @!p1 $0x1000;
	s23 =	simm.s32 @!p2 $0xF4000  }
0x2d: {  	v3 =	vshll.u32 v2, $0x3;
	s25 =	simm.s32 @!p1 $0x7A1400;
	s26 =	simm.s32 @!p1 $0x2000;
	s23 =	sadd.s32 @!p1 s0, s23  }
0x2e: {  	v4 =	vand.u32 $0x78, v2;
	v3 =	vand.u32 $0xFFFFFC00, v3;
	[tilespmem:s26], [sflag:$0x2] =	stream.strided.gather @!p1 [hbm4b:s23+s24], $0x2000, s25, s24, $0x38;
	[tilespmem:$0x8000] =	vst v63  }
0x2f: {  	v3 =	vor.u32 v4, v3;
	_ =	swait.ge [sflag:s13], $0x2000  }
0x30: {  	v4 =	vadd.s32 v0, v3;
	p2 =	seq.s32 s21, $0x0;
	[sflag:s13] =	ssyncset.done $0x0  }
0x31: {  	s23 =	simm.s32 @!p2 $0x3;
	[sflag:s13] =	ssyncadd.s32 $0xFFFFE000  }
0x32: {  	_ =	swait.ge @!p2 [sflag:s23], $0x2000  }
0x33: {  	[sflag:s23] =	ssyncset.done @!p2 $0x0  }
0x34: {  	[sflag:s23] =	ssyncadd.s32 @!p2 $0xFFFFE000  }
0x35: {  	v5 =	vld.idx.msk [tilespmem:v4+s4+$0x0], $0xffff  }
0x36: {  	v6 =	vor.u32 $0x1, v4;
	_ =	sdelay $0x2  }
0x37: {  	s25 =	simm.s32 $0x0  }
0x38: {  	[tilespmem:s25+$0x4000] =	vst v5  }
0x39: {  	v5 =	vld.idx.msk [tilespmem:v6+s4+$0x0], $0xffff  }
0x3a: {  	v6 =	vor.u32 $0x2, v4;
	_ =	sdelay $0x3  }
0x3b: {  	[tilespmem:s25+$0x4010] =	vst v5  }
0x3c: {  	v5 =	vld.idx.msk [tilespmem:v6+s4+$0x0], $0xffff  }
0x3d: {  	v3 =	vadd.s32 v1, v3;
	_ =	sdelay $0x3  }
0x3e: {  	[tilespmem:s25+$0x4020] =	vst v5  }
0x3f: {  	v3 =	vld.idx.msk [tilespmem:v3+s4+$0x0], $0xffff  }
0x40: {  	v5 =	vor.u32 $0x4, v4;
	_ =	sdelay $0x3  }
0x41: {  	[tilespmem:s25+$0x4030] =	vst v3  }
0x42: {  	v3 =	vld.idx.msk [tilespmem:v5+s4+$0x0], $0xffff  }
0x43: {  	v5 =	vor.u32 $0x5, v4;
	_ =	sdelay $0x3  }
0x44: {  	[tilespmem:s25+$0x4040] =	vst v3  }
0x45: {  	v3 =	vld.idx.msk [tilespmem:v5+s4+$0x0], $0xffff  }
0x46: {  	v5 =	vor.u32 $0x6, v4;
	_ =	sdelay $0x3  }
0x47: {  	[tilespmem:s25+$0x4050] =	vst v3  }
0x48: {  	v5 =	vld.idx.msk [tilespmem:v5+s4+$0x0], $0xffff  }
0x49: {  	v3 =	vor.u32 $0x7, v4;
	_ =	sdelay $0x2  }
0x4a: {  	v2 =	vadd.s32 $0x8, v2;
	s24 =	sshll.u32 s21, $0x1  }
0x4b: {  	s28 =	simm.s32 $0x400;
	s26 =	simm.s32 $0x200;
	s23 =	sadd.s32 $0x2, s24;
	v4 =	vshll.u32 v2, $0x3;
	[tilespmem:s25+$0x4060] =	vst v5  }
.LBB2_3:
0x4c: {  	p3 =	sne.s32 s28, $0x7E00;
	v5 =	vand.u32 $0x78, v2;
	v4 =	vand.u32 $0xFFFFFC00, v4;
	v3 =	vld.idx.msk [tilespmem:v3+s4+$0x0], $0xffff  }
0x4d: {  	v4 =	vor.u32 v5, v4  }
0x4e: {  	v5 =	vadd.s32 v0, v4;
	_ =	sdelay $0x3  }
0x4f: {  	[tilespmem:s25+$0x4070] =	vst v3  }
0x50: {  	v3 =	vld.idx.msk [tilespmem:v5+s4+$0x0], $0xffff;
	_ =	sdelay $0x1  }
0x51: {  	v6 =	vor.u32 $0x1, v5;
	_ =	sdelay $0x2  }
0x52: {  	s25 =	sshra.s32 s26, $0x2;
	s26 =	smov.u32 s28  }
0x53: {  	[tilespmem:s25+$0x4000] =	vst v3  }
0x54: {  	v3 =	vld.idx.msk [tilespmem:v6+s4+$0x0], $0xffff;
	_ =	sdelay $0x1  }
0x55: {  	v6 =	vor.u32 $0x2, v5;
	_ =	sdelay $0x3  }
0x56: {  	[tilespmem:s25+$0x4010] =	vst v3  }
0x57: {  	v3 =	vld.idx.msk [tilespmem:v6+s4+$0x0], $0xffff;
	_ =	sdelay $0x1  }
0x58: {  	v4 =	vadd.s32 v1, v4;
	_ =	sdelay $0x3  }
0x59: {  	[tilespmem:s25+$0x4020] =	vst v3  }
0x5a: {  	v3 =	vld.idx.msk [tilespmem:v4+s4+$0x0], $0xffff;
	_ =	sdelay $0x1  }
0x5b: {  	v4 =	vor.u32 $0x4, v5;
	_ =	sdelay $0x3  }
0x5c: {  	[tilespmem:s25+$0x4030] =	vst v3  }
0x5d: {  	v3 =	vld.idx.msk [tilespmem:v4+s4+$0x0], $0xffff;
	_ =	sdelay $0x1  }
0x5e: {  	v4 =	vor.u32 $0x5, v5;
	_ =	sdelay $0x3  }
0x5f: {  	[tilespmem:s25+$0x4040] =	vst v3  }
0x60: {  	v3 =	vld.idx.msk [tilespmem:v4+s4+$0x0], $0xffff;
	_ =	sdelay $0x1  }
0x61: {  	v4 =	vor.u32 $0x6, v5;
	_ =	sdelay $0x3  }
0x62: {  	[tilespmem:s25+$0x4050] =	vst v3  }
0x63: {  	v6 =	vld.idx.msk [tilespmem:v4+s4+$0x0], $0xffff;
	_ =	sdelay $0x1  }
.Ltmp4:
0x64: {  	v3 =	vor.u32 $0x7, v5;
	(pc) =	sbr.rel @p3 .LBB2_3-.Ltmp4, $3  }
0x65: {  	_ =	sdelay $0x1  }
0x66: {  	v2 =	vadd.s32 $0x8, v2  }
0x67: {  	s28 =	sadd.s32 $0x200, s28;
	v4 =	vshll.u32 v2, $0x3;
	[tilespmem:s25+$0x4060] =	vst v6  }
0x68: {  	_ =	sdelay $0x2  }
0x69: {  	v2 =	vand.u32 $0x78, v2;
	v4 =	vand.u32 $0xFFFFFC00, v4  }
0x6a: {  	v3 =	vld.idx.msk [tilespmem:v3+s4+$0x0], $0xffff;
	v2 =	vor.u32 v2, v4  }
0x6b: {  	v4 =	vadd.s32 v0, v2;
	_ =	sdelay $0x3  }
0x6c: {  	[tilespmem:s25+$0x4070] =	vst v3  }
0x6d: {  	v3 =	vld.idx.msk [tilespmem:v4+s4+$0x0], $0xffff  }
0x6e: {  	v5 =	vor.u32 $0x1, v4;
	_ =	sdelay $0x2  }
0x6f: {  	s31 =	sshra.s32 s26, $0x2  }
0x70: {  	[tilespmem:s31+$0x4000] =	vst v3  }
0x71: {  	v3 =	vld.idx.msk [tilespmem:v5+s4+$0x0], $0xffff  }
0x72: {  	v63 =	vor.u32 $0x2, v4;
	_ =	sdelay $0x3  }
0x73: {  	[tilespmem:s31+$0x4010] =	vst v3  }
0x74: {  	v3 =	vld.idx.msk [tilespmem:v63+s4+$0x0], $0xffff  }
0x75: {  	v2 =	vadd.s32 v1, v2;
	_ =	sdelay $0x3  }
0x76: {  	[tilespmem:s31+$0x4020] =	vst v3  }
0x77: {  	v2 =	vld.idx.msk [tilespmem:v2+s4+$0x0], $0xffff  }
0x78: {  	v3 =	vor.u32 $0x4, v4;
	_ =	sdelay $0x3  }
0x79: {  	[tilespmem:s31+$0x4030] =	vst v2  }
0x7a: {  	v2 =	vld.idx.msk [tilespmem:v3+s4+$0x0], $0xffff  }
0x7b: {  	v3 =	vor.u32 $0x5, v4;
	_ =	sdelay $0x3  }
0x7c: {  	[tilespmem:s31+$0x4040] =	vst v2  }
0x7d: {  	v2 =	vld.idx.msk [tilespmem:v3+s4+$0x0], $0xffff  }
0x7e: {  	v3 =	vor.u32 $0x6, v4;
	_ =	sdelay $0x3  }
0x7f: {  	[tilespmem:s31+$0x4050] =	vst v2  }
0x80: {  	v2 =	vld.idx.msk [tilespmem:v3+s4+$0x0], $0xffff  }
0x81: {  	v3 =	vor.u32 $0x7, v4;
	_ =	sdelay $0x3  }
0x82: {  	[tilespmem:s31+$0x4060] =	vst v2  }
0x83: {  	v2 =	vld.idx.msk [tilespmem:v3+s4+$0x0], $0xffff  }
0x84: {  	p3 =	sge.u32 s23, s5  }
0x85: {  	s24 =	sadd.s32 s8, s24;
	s23 =	sadd.s32 @!p3 s8, s23  }
0x86: {  	s24 =	sshll.u32 s24, $0xA;
	p4 =	seq.s32 @!p3 s21, $0x1E;
	s23 =	sshll.u32 @!p3 s23, $0x9  }
.Ltmp5:
0x87: {  	p4 =	por !p4, p3;
	s23 =	sand.u32 @!p3 $0x1FFFFE00, s23;
	(pc) =	sbr.rel @p1 .LBB2_8-.Ltmp5, $4  }
0x88: {  	s26 =	simm.s32 @!p3 $0x0;
	s24 =	sadd.s32 s6, s24;
	s23 =	simm.s32 @!p4 $0xF4000;
	[tilespmem:s31+$0x4070] =	vst v2  }
0x89: {  	[hbm4b:s24+s4] =	stream.linear.scatter [tilespmem:s14], [sflag:$0x3], $0x2000, $0x38;
	[tilespmem:$0x8000] =	vst v63  }
0x8a: {  	s23 =	sadd.s32 @!p3 s0, s23;
	s25 =	simm.s32 @!p3 $0x7A1400;
	s24 =	simm.s32 @!p3 $0x1000  }
0x8b: {  	[tilespmem:s26], [sflag:$0x1] =	stream.strided.gather @!p3 [hbm4b:s23+s24], $0x2000, s25, s24, $0x38;
	[tilespmem:$0x8000] =	vst v63  }
0x8c: {  	v2 =	vimm.s32 $0x0  }
0x8d: {  	v3 =	vshll.u32 v2, $0x3  }
0x8e: {  	v4 =	vand.u32 $0x78, v2;
	v3 =	vand.u32 $0xFFFFFC00, v3  }
0x8f: {  	_ =	swait.ge [sflag:s15], $0x2000;
	v3 =	vor.u32 v4, v3  }
0x90: {  	[sflag:s15] =	ssyncset.done $0x0;
	v4 =	vadd.s32 v0, v3  }
0x91: {  	s23 =	simm.s32 @!p2 $0x4;
	[sflag:s15] =	ssyncadd.s32 $0xFFFFE000  }
0x92: {  	_ =	swait.ge @!p2 [sflag:s23], $0x2000  }
0x93: {  	[sflag:s23] =	ssyncset.done @!p2 $0x0  }
0x94: {  	[sflag:s23] =	ssyncadd.s32 @!p2 $0xFFFFE000  }
0x95: {  	v5 =	vld.idx.msk [tilespmem:v4+s16+$0x0], $0xffff  }
0x96: {  	v6 =	vor.u32 $0x1, v4;
	_ =	sdelay $0x2  }
0x97: {  	s23 =	simm.s32 $0x0  }
0x98: {  	[tilespmem:s23+$0x6000] =	vst v5  }
0x99: {  	v5 =	vld.idx.msk [tilespmem:v6+s16+$0x0], $0xffff  }
0x9a: {  	v6 =	vor.u32 $0x2, v4;
	_ =	sdelay $0x3  }
0x9b: {  	[tilespmem:s23+$0x6010] =	vst v5  }
0x9c: {  	v5 =	vld.idx.msk [tilespmem:v6+s16+$0x0], $0xffff  }
0x9d: {  	v3 =	vadd.s32 v1, v3;
	_ =	sdelay $0x3  }
0x9e: {  	[tilespmem:s23+$0x6020] =	vst v5  }
0x9f: {  	v3 =	vld.idx.msk [tilespmem:v3+s16+$0x0], $0xffff  }
0xa0: {  	v5 =	vor.u32 $0x4, v4;
	_ =	sdelay $0x3  }
0xa1: {  	[tilespmem:s23+$0x6030] =	vst v3  }
0xa2: {  	v3 =	vld.idx.msk [tilespmem:v5+s16+$0x0], $0xffff  }
0xa3: {  	v5 =	vor.u32 $0x5, v4;
	_ =	sdelay $0x3  }
0xa4: {  	[tilespmem:s23+$0x6040] =	vst v3  }
0xa5: {  	v3 =	vld.idx.msk [tilespmem:v5+s16+$0x0], $0xffff  }
0xa6: {  	v5 =	vor.u32 $0x6, v4;
	_ =	sdelay $0x3  }
0xa7: {  	[tilespmem:s23+$0x6050] =	vst v3  }
0xa8: {  	v5 =	vld.idx.msk [tilespmem:v5+s16+$0x0], $0xffff  }
0xa9: {  	v3 =	vor.u32 $0x7, v4;
	_ =	sdelay $0x2  }
0xaa: {  	v2 =	vadd.s32 $0x8, v2  }
0xab: {  	s24 =	simm.s32 $0x200;
	s25 =	simm.s32 $0x400;
	v4 =	vshll.u32 v2, $0x3;
	[tilespmem:s23+$0x6060] =	vst v5  }
.LBB2_6:
0xac: {  	p1 =	sne.s32 s25, $0x7E00;
	v5 =	vand.u32 $0x78, v2;
	v4 =	vand.u32 $0xFFFFFC00, v4;
	v3 =	vld.idx.msk [tilespmem:v3+s16+$0x0], $0xffff  }
0xad: {  	v4 =	vor.u32 v5, v4  }
0xae: {  	v5 =	vadd.s32 v0, v4;
	_ =	sdelay $0x3  }
0xaf: {  	[tilespmem:s23+$0x6070] =	vst v3  }
0xb0: {  	v3 =	vld.idx.msk [tilespmem:v5+s16+$0x0], $0xffff;
	_ =	sdelay $0x1  }
0xb1: {  	v6 =	vor.u32 $0x1, v5;
	_ =	sdelay $0x2  }
0xb2: {  	s23 =	sshra.s32 s24, $0x2;
	s24 =	smov.u32 s25  }
0xb3: {  	[tilespmem:s23+$0x6000] =	vst v3  }
0xb4: {  	v3 =	vld.idx.msk [tilespmem:v6+s16+$0x0], $0xffff;
	_ =	sdelay $0x1  }
0xb5: {  	v6 =	vor.u32 $0x2, v5;
	_ =	sdelay $0x3  }
0xb6: {  	[tilespmem:s23+$0x6010] =	vst v3  }
0xb7: {  	v3 =	vld.idx.msk [tilespmem:v6+s16+$0x0], $0xffff;
	_ =	sdelay $0x1  }
0xb8: {  	v4 =	vadd.s32 v1, v4;
	_ =	sdelay $0x3  }
0xb9: {  	[tilespmem:s23+$0x6020] =	vst v3  }
0xba: {  	v3 =	vld.idx.msk [tilespmem:v4+s16+$0x0], $0xffff;
	_ =	sdelay $0x1  }
0xbb: {  	v4 =	vor.u32 $0x4, v5;
	_ =	sdelay $0x3  }
0xbc: {  	[tilespmem:s23+$0x6030] =	vst v3  }
0xbd: {  	v3 =	vld.idx.msk [tilespmem:v4+s16+$0x0], $0xffff;
	_ =	sdelay $0x1  }
0xbe: {  	v4 =	vor.u32 $0x5, v5;
	_ =	sdelay $0x3  }
0xbf: {  	[tilespmem:s23+$0x6040] =	vst v3  }
0xc0: {  	v3 =	vld.idx.msk [tilespmem:v4+s16+$0x0], $0xffff;
	_ =	sdelay $0x1  }
0xc1: {  	v4 =	vor.u32 $0x6, v5;
	_ =	sdelay $0x3  }
0xc2: {  	[tilespmem:s23+$0x6050] =	vst v3  }
0xc3: {  	v6 =	vld.idx.msk [tilespmem:v4+s16+$0x0], $0xffff;
	_ =	sdelay $0x1  }
.Ltmp6:
0xc4: {  	v3 =	vor.u32 $0x7, v5;
	(pc) =	sbr.rel @p1 .LBB2_6-.Ltmp6, $3  }
0xc5: {  	_ =	sdelay $0x1  }
0xc6: {  	v2 =	vadd.s32 $0x8, v2  }
0xc7: {  	s25 =	sadd.s32 $0x200, s25;
	v4 =	vshll.u32 v2, $0x3;
	[tilespmem:s23+$0x6060] =	vst v6  }
0xc8: {  	_ =	sdelay $0x2  }
0xc9: {  	v2 =	vand.u32 $0x78, v2;
	v4 =	vand.u32 $0xFFFFFC00, v4  }
0xca: {  	v3 =	vld.idx.msk [tilespmem:v3+s16+$0x0], $0xffff;
	v2 =	vor.u32 v2, v4  }
0xcb: {  	v4 =	vadd.s32 v0, v2;
	_ =	sdelay $0x3  }
0xcc: {  	[tilespmem:s23+$0x6070] =	vst v3  }
0xcd: {  	v3 =	vld.idx.msk [tilespmem:v4+s16+$0x0], $0xffff  }
0xce: {  	v5 =	vor.u32 $0x1, v4;
	_ =	sdelay $0x2  }
0xcf: {  	s31 =	sshra.s32 s24, $0x2  }
0xd0: {  	[tilespmem:s31+$0x6000] =	vst v3  }
0xd1: {  	v3 =	vld.idx.msk [tilespmem:v5+s16+$0x0], $0xffff  }
0xd2: {  	v63 =	vor.u32 $0x2, v4;
	_ =	sdelay $0x3  }
0xd3: {  	[tilespmem:s31+$0x6010] =	vst v3  }
0xd4: {  	v3 =	vld.idx.msk [tilespmem:v63+s16+$0x0], $0xffff  }
0xd5: {  	v2 =	vadd.s32 v1, v2;
	_ =	sdelay $0x3  }
0xd6: {  	[tilespmem:s31+$0x6020] =	vst v3  }
0xd7: {  	v2 =	vld.idx.msk [tilespmem:v2+s16+$0x0], $0xffff  }
0xd8: {  	v3 =	vor.u32 $0x4, v4;
	_ =	sdelay $0x3  }
0xd9: {  	[tilespmem:s31+$0x6030] =	vst v2  }
0xda: {  	v2 =	vld.idx.msk [tilespmem:v3+s16+$0x0], $0xffff  }
0xdb: {  	v3 =	vor.u32 $0x5, v4;
	_ =	sdelay $0x3  }
0xdc: {  	[tilespmem:s31+$0x6040] =	vst v2  }
0xdd: {  	v2 =	vld.idx.msk [tilespmem:v3+s16+$0x0], $0xffff  }
0xde: {  	v3 =	vor.u32 $0x6, v4;
	_ =	sdelay $0x3  }
0xdf: {  	[tilespmem:s31+$0x6050] =	vst v2  }
0xe0: {  	v2 =	vld.idx.msk [tilespmem:v3+s16+$0x0], $0xffff  }
0xe1: {  	v3 =	vor.u32 $0x7, v4;
	_ =	sdelay $0x3  }
0xe2: {  	[tilespmem:s31+$0x6060] =	vst v2  }
0xe3: {  	v2 =	vld.idx.msk [tilespmem:v3+s16+$0x0], $0xffff  }
0xe4: {  	s22 =	sadd.s32 s8, s22  }
.Ltmp7:
0xe5: {  	s22 =	sshll.u32 s22, $0xA;
	(pc) =	sbr.rel .LBB2_8-.Ltmp7, $4  }
0xe6: {  	p1 =	seq.s32 s21, $0x1E;
	s22 =	sand.u32 $0x1FFFFC00, s22  }
0xe7: {  	s22 =	simm.s32 @p1 $0x1E8000  }
0xe8: {  	s22 =	sadd.s32 s6, s22;
	[tilespmem:s31+$0x6070] =	vst v2  }
0xe9: {  	[hbm4b:s22+s4] =	stream.linear.scatter [tilespmem:s17], [sflag:$0x4], $0x2000, $0x38;
	[tilespmem:$0x8000] =	vst v63  }
.LBB2_10:
0xea: {  	_ =	sfence.sel $0x180000  }
0xeb: {  	[bflag:$0x0] =	sbarrier.arrive $0xFFFF  }
0xec: {  	p0 =	sne.s32 s3, $0x0;
	_ =	strace $0x90000047  }
0xed: {  	s0 =	sadd.s32 @!p0 $0x100000, s2;
	[bflag:$0x2] =	sbarrier.arrive $0xFFFF  }
0xee: {  	[sflag:s0] =	ssyncadd.tile.s32 @!p0 $0x1;
	_ =	shalt  }
.Lfunc_end2:
_tile_overlayer_lowered:
.L_overlay_start_2:
0xef: {  	(tag) =	ssettag $0x2  }
0xf0: {  	s0 =	rddreg [dreg:$0x0];
	s2 =	stileid.u32  }
0xf1: {  	s1 =	rddreg [dreg:$0x1];
	p0 =	sne.s32 s2, $0x0  }
0xf2: {  	s3 =	rddreg [dreg:$0x2];
	[bflag:$0x3] =	sbarrier.arrive $0xFFFF;
	s2 =	simm.s32 @!p0 $0x1C05  }
0xf3: {  	[timem:s3], [sflag:s2] =	dma.local @!p0 [hbm:s0], s1  }
0xf4: {  	s0 =	simm.s32 @!p0 $0x5  }
0xf5: {  	_ =	swait.ge @!p0 [sflag:s0], s1  }
0xf6: {  	s1 =	ssub.s32 @!p0 $0x0, s1;
	[sflag:s0] =	ssyncset.done @!p0 $0x0  }
0xf7: {  	[sflag:s0] =	ssyncadd.s32 @!p0 s1  }
0xf8: {  	[bflag:$0x3] =	sbarrier.arrive $0xFFFF  }
0xf9: {  	_ =	shalt  }

// kernel: kernel.8.cloned.1.call-start
scs
__scs_entry_jumppad:
0x0: {  	(pc) =	sbr.rel $0x88, $3  }
0x1: {  	(tag) =	ssettag $0x0;
	lr =	simm.s32 $0x1  }
0x2: {  	[smem:$0x3F98] =	sst lr;
	_ =	strace $0xD0000000  }
0x3: {  	_ = 	snop  }
0x4: {  	_ = 	snop  }
0x5: {  	_ = 	snop  }
0x6: {  	_ = 	snop  }
0x7: {  	_ = 	snop  }
__scs_overlays_trampoline_lowered:
0x8: {  	[smem:$0x3FA7] =	sst s0  }
0x9: {  	[smem:$0x3FA8] =	sst s1  }
0xa: {  	[smem:$0x3FA9] =	sst s2  }
0xb: {  	[smem:$0x3FAA] =	sst s3  }
0xc: {  	[smem:$0x3FAB] =	sst s4  }
0xd: {  	[smem:$0x3FAC] =	sst s5  }
0xe: {  	[smem:$0x3FAD] =	sst s6  }
0xf: {  	[smem:$0x3FAE] =	sst s7  }
0x10: {  	[smem:$0x3FAF] =	sst s8  }
0x11: {  	[smem:$0x3FB0] =	sst s9;
	s0 =	simm.s32 @!p0 $0x0  }
0x12: {  	s1 =	sld [smem:$0x3F96];
	s0 =	simm.s32 @p0 $0x1  }
0x13: {  	[smem:$0x3FB1] =	sst s0;
	s0 =	simm.s32 @!p1 $0x0  }
0x14: {  	s2 =	sld [smem:$0x3F95];
	s0 =	simm.s32 @p1 $0x1  }
0x15: {  	[smem:$0x3FB2] =	sst s0;
	s0 =	simm.s32 @!p2 $0x0  }
0x16: {  	s3 =	sld [smem:$0x3FDB];
	s0 =	simm.s32 @p2 $0x1  }
0x17: {  	s4 =	simm.s32 $0x1BF5;
	[smem:$0x3FB4] =	sst s0  }
0x18: {  	s0 =	sld [smem:$0x3F97];
	_ =	swait.ge [sflag:s4], $0x0  }
0x19: {  	s7 =	sld [smem:$0x3F98]  }
0x1a: {  	s8 =	sadd.s32 $0xFFFFE003, lr  }
0x1b: {  	s9 =	sadd.s32 $0xFFFFFEF7, lr;
	s5 =	simm.s32 $0xFFFFFFFF;
	p2 =	slt.u32 s8, $0xFFFFF086  }
0x1c: {  	p1 =	slt.u32 s9, $0xF7A;
	s5 =	simm.s32 @!p2 $0x0  }
0x1d: {  	s5 =	simm.s32 @p1 $0x1;
	p0 =	seq.s32 s7, s2  }
0x1e: {  	s7 =	smul.u32 @!p0 $0xF7A, s2;
	p2 =	seq.s32 @!p0 s5, $0x0  }
0x1f: {  	s9 =	smul.u32 $0xF7A, s1;
	s8 =	simm.s32 @!p0 $0x1BF5;
	p2 =	por !p2, p0  }
0x20: {  	[sflag:s8] =	ssyncset.s32 @!p0 $0xFFFFF086;
	s6 =	sadd.s32 @!p0 s3, s7;
	s7 =	simm.s32 @!p0 $0x108  }
0x21: {  	s3 =	sadd.s32 s3, s9;
	s6 =	sadd.s32 @!p0 $0x88, s6;
	s7 =	simm.s32 @p2 $0x1082  }
0x22: {  	[simem:s7], [sflag:s8] =	dma.local @!p0 [hbm:s6], $0xF7A  }
0x23: {  	s9 =	sor.u32 $0xD0000000, s2;
	s6 =	simm.s32 $0x108;
	_ =	swait.ge @!p0 [sflag:s8], $0x0  }
0x24: {  	s3 =	sadd.s32 $0x88, s3;
	s6 =	simm.s32 @!p1 $0x1082;
	[sflag:s4] =	ssyncset.s32 $0xFFFFF086  }
0x25: {  	[simem:s6], [sflag:s4] =	dma.local [hbm:s3], $0xF7A  }
0x26: {  	[smem:$0x3F98] =	sst s1;
	(tag) =	ssettag s2;
	_ =	strace s9  }
0x27: {  	s1 =	sld [smem:$0x3FA8]  }
0x28: {  	s2 =	sld [smem:$0x3FA9]  }
0x29: {  	s4 =	sld [smem:$0x3FAB]  }
0x2a: {  	p0 =	seq.s32 s5, $0x0;
	s5 =	sld [smem:$0x3FAC]  }
0x2b: {  	s6 =	sld [smem:$0x3FAD]  }
0x2c: {  	s7 =	sld [smem:$0x3FAE]  }
0x2d: {  	s3 =	simm.s32 $0x108;
	s8 =	sld [smem:$0x3FAF]  }
0x2e: {  	s3 =	simm.s32 @!p0 $0x1082;
	s9 =	sld [smem:$0x3FB0]  }
0x2f: {  	lr =	sadd.s32 s0, s3;
	s0 =	sld [smem:$0x3FA7]  }
0x30: {  	s3 =	sld [smem:$0x3FAA]  }
0x31: {  	[smem:$0x3FB3] =	sst s10  }
0x32: {  	s10 =	sld [smem:$0x3FB1];
	_ =	sdelay $0x3  }
0x33: {  	p0 =	seq.s32 s10, $0x1;
	s10 =	sld [smem:$0x3FB3];
	_ =	sdelay $0x3  }
0x34: {  	[smem:$0x3FB3] =	sst s10  }
0x35: {  	s10 =	sld [smem:$0x3FB2];
	_ =	sdelay $0x3  }
0x36: {  	p1 =	seq.s32 s10, $0x1;
	s10 =	sld [smem:$0x3FB3];
	_ =	sdelay $0x3  }
0x37: {  	[smem:$0x3FB3] =	sst s10  }
0x38: {  	s10 =	sld [smem:$0x3FB4]  }
0x39: {  	_ = 	snop;
	(pc) =	sbr.ind lr, $3  }
0x3a: {  	_ = 	snop  }
0x3b: {  	_ = 	snop  }
0x3c: {  	p2 =	seq.s32 s10, $0x1;
	s10 =	sld [smem:$0x3FB3]  }
0x3d: {  	_ =	shalt  }
0x3e: {  	_ =	shalt  }
0x3f: {  	_ =	shalt  }
0x40: {  	_ =	shalt  }
0x41: {  	_ =	shalt  }
0x42: {  	_ =	shalt  }
0x43: {  	_ =	shalt  }
0x44: {  	_ =	shalt  }
0x45: {  	_ =	shalt  }
0x46: {  	_ =	shalt  }
0x47: {  	_ =	shalt  }
0x48: {  	_ =	shalt  }
0x49: {  	_ =	shalt  }
0x4a: {  	_ =	shalt  }
0x4b: {  	_ =	shalt  }
0x4c: {  	_ =	shalt  }
0x4d: {  	_ =	shalt  }
0x4e: {  	_ =	shalt  }
0x4f: {  	_ =	shalt  }
0x50: {  	_ =	shalt  }
0x51: {  	_ =	shalt  }
0x52: {  	_ =	shalt  }
0x53: {  	_ =	shalt  }
0x54: {  	_ =	shalt  }
0x55: {  	_ =	shalt  }
0x56: {  	_ =	shalt  }
0x57: {  	_ =	shalt  }
0x58: {  	_ =	shalt  }
0x59: {  	_ =	shalt  }
0x5a: {  	_ =	shalt  }
0x5b: {  	_ =	shalt  }
0x5c: {  	_ =	shalt  }
0x5d: {  	_ =	shalt  }
0x5e: {  	_ =	shalt  }
0x5f: {  	_ =	shalt  }
0x60: {  	_ =	shalt  }
0x61: {  	_ =	shalt  }
0x62: {  	_ =	shalt  }
0x63: {  	_ =	shalt  }
0x64: {  	_ =	shalt  }
0x65: {  	_ =	shalt  }
0x66: {  	_ =	shalt  }
0x67: {  	_ =	shalt  }
0x68: {  	_ =	shalt  }
0x69: {  	_ =	shalt  }
0x6a: {  	_ =	shalt  }
0x6b: {  	_ =	shalt  }
0x6c: {  	_ =	shalt  }
0x6d: {  	_ =	shalt  }
0x6e: {  	_ =	shalt  }
0x6f: {  	_ =	shalt  }
0x70: {  	_ =	shalt  }
0x71: {  	_ =	shalt  }
0x72: {  	_ =	shalt  }
0x73: {  	_ =	shalt  }
0x74: {  	_ =	shalt  }
0x75: {  	_ =	shalt  }
0x76: {  	_ =	shalt  }
0x77: {  	_ =	shalt  }
0x78: {  	_ =	shalt  }
0x79: {  	_ =	shalt  }
0x7a: {  	_ =	shalt  }
0x7b: {  	_ =	shalt  }
0x7c: {  	_ =	shalt  }
0x7d: {  	_ =	shalt  }
0x7e: {  	_ =	shalt  }
0x7f: {  	_ =	shalt  }
0x80: {  	_ =	shalt  }
0x81: {  	_ =	shalt  }
0x82: {  	_ =	shalt  }
0x83: {  	_ =	shalt  }
0x84: {  	_ =	shalt  }
0x85: {  	_ =	shalt  }
0x86: {  	_ =	shalt  }
0x87: {  	_ =	shalt  }
.Lfunc_end0:
.L_simem_size_0:
called_computation.1_lowered:
.L_overlay_start_0:
0x88: {  	s2 =	sld [smem:$0x3FD9]  }
0x89: {  	s3 =	sld [smem:$0x3FFE];
	_ =	sdelay $0x1  }
0x8a: {  	s1 =	srdreg.scid  }
0x8b: {  	s0 =	sand.u32 $0x1, s1  }
0x8c: {  	s16 =	sshll.u32 s0, $0xA;
	s2 =	sadd.s32 s3, s2  }
0x8d: {  	s2 =	sadd.s32 s2, s16  }
0x8e: {  	[smem:$0x3FBF] =	sst s2  }
0x8f: {  	_ = 	snop  }
0x90: {  	(tm) =	ssettm $0x1  }
0x91: {  	s17 =	sld [smem:$0x3FFB];
	_ =	sdelay $0x3  }
0x92: {  	_ =	strace s17  }
0x93: {  	s2 =	sld [smem:$0x3FFC];
	_ =	sdelay $0x3  }
0x94: {  	_ =	strace s2  }
0x95: {  	s2 =	sld [smem:$0x3FFD];
	_ =	sdelay $0x3  }
0x96: {  	_ =	strace s2  }
0x97: {  	_ =	strace $0x8FFFFFFF  }
0x98: {  	s18 =	sld [smem:$0x3FDB];
	_ =	sdelay $0x1  }
0x99: {  	s19 =	simm.s32 $_scs_section_size  }
0x9a: {  	s4 =	simm.s32 $_size__tile_overlayer_lowered;
	s5 =	simm.s32 $_tile_overlayer_lowered  }
0x9b: {  	s22 =	simm.s32 $0x1BFF;
	s21 =	sshll.u32 s5, $0x1;
	s2 =	sadd.s32 s19, s18  }
0x9c: {  	s6 =	simm.s32 $0x0;
	s20 =	sshll.u32 s4, $0x1;
	s4 =	sadd.s32 s21, s2  }
0x9d: {  	[timem:s6], [sflag:s22] =	dma.local [hbm:s4], s20  }
0x9e: {  	_ =	swait.ge [sflag:s22], s20  }
0x9f: {  	s3 =	ssub.s32 $0x0, s20;
	[sflag:s22] =	ssyncset.done $0x0  }
0xa0: {  	[sflag:s22] =	ssyncadd.s32 s3;
	_ =	sdelay $0x1  }
0xa1: {  	s23 =	simm.s32 $0x1B8B  }
0xa2: {  	_ =	swait.ge [sflag:s23], $0x1  }
0xa3: {  	[sflag:s23] =	ssyncset.done $0x0  }
0xa4: {  	s25 =	simm.s32 $0x1B8E;
	s24 =	sld [smem:$0x3FFE];
	[sflag:s23] =	ssyncadd.s32 $0xFFFFFFFF  }
0xa5: {  	s26 =	simm.s32 $execute0_lowered;
	[smem:$0x3FD2] =	sst s25  }
0xa6: {  	s4 =	sshll.u32 s26, $0x1;
	_ =	strace $0x80000049;
	[dreg:$0x1] =	wrdreg $0xFFFFFFFF  }
0xa7: {  	s28 =	simm.s32 $_size_execute0_lowered;
	s2 =	sadd.s32 s2, s4;
	[dreg:$0x0] =	wrdreg $0x0  }
0xa8: {  	s4 =	sshll.u32 s28, $0x1;
	[dreg:$0x2] =	wrdreg s2  }
0xa9: {  	[dreg:$0x3] =	wrdreg s4  }
0xaa: {  	[dreg:$0x4] =	wrdreg $0xC0  }
0xab: {  	_ =	task [dreg:s6], $0x5FFFF  }
0xac: {  	[dreg:$0x1] =	wrdreg $0xFFFFFFFF  }
0xad: {  	[dreg:$0x0] =	wrdreg $0x60  }
0xae: {  	[dreg:$0x2] =	wrdreg s24  }
0xaf: {  	[dreg:$0x3] =	wrdreg $0x9  }
0xb0: {  	_ =	task.clear_ibuf [dreg:s6], $0x4FFFF;
	_ =	strace $0x90000049  }
0xb1: {  	s29 =	simm.s32 $0x9;
	_ =	strace $0x8000004B  }
0xb2: {  	_ =	swait.ge [sflag:s29], $0x1  }
0xb3: {  	[sflag:s29] =	ssyncadd.s32 $0xFFFFFFFF  }
0xb4: {  	_ =	strace $0x9000004B  }
0xb5: {  	_ =	sfence  }
0xb6: {  	s30 =	sld [smem:$0x0];
	_ =	sdelay $0x2  }
0xb7: {  	s31 =	sshll.u32 s1, $0xD;
	s1 =	sshrl.u32 s1, $0x2  }
0xb8: {  	s3 =	sand.u32 $0x4000, s31;
	s1 =	sadd.s32 s1, s30  }
0xb9: {  	s0 =	sor.u32 s3, s0;
	s1 =	sshll.u32 s1, $0x11  }
0xba: {  	s0 =	sor.u32 s1, s0  }
0xbb: {  	s0 =	sadd.s32 $0x8F2B, s0  }
0xbc: {  	[sflag:s0] =	ssyncadd.remote.s32 $0x1  }
0xbd: {  	_ =	sfence.sel $0xFFFF  }
0xbe: {  	[dreg:$0x0] =	wrdreg $0xFFFFFFFF;
	(pc) =	sbr.abs _section_cstart, $3  }
0xbf: {  	[dreg:$0x1] =	wrdreg $0xFFFFFFFF  }
0xc0: {  	_ =	task.clear_ibuf [dreg:s6], $0x2FFFF;
	_ =	strace $0x9FFFFFFF  }
0xc1: {  	(tm) =	ssettm $0x7FFFFFFF  }
tec
execute0_lowered:
.L_overlay_start_1:
0x0: {  	(tag) =	ssettag $0x1  }
0x1: {  	s0 =	rddreg [dreg:$0x0]  }
0x2: {  	s2 =	simm.s32 $0x0;
	s1 =	srdreg.scid;
	s3 =	stileid.u32  }
0x3: {  	s13 =	simm.s32 $0x3;
	s15 =	simm.s32 $0x80;
	s16 =	simm.s32 $0x2000  }
0x4: {  	s31 =	simm.s32 $0xA000;
	s24 =	simm.s32 $0xE80;
	s25 =	simm.s32 $0x10800  }
0x5: {  	s26 =	simm.s32 $0xF00;
	s28 =	simm.s32 $0x11000;
	s29 =	simm.s32 $0xF80  }
0x6: {  	s30 =	simm.s32 $0x11800;
	s14 =	simm.s32 $0x20;
	s17 =	simm.s32 $0x1  }
0x7: {  	s18 =	simm.s32 $0x2;
	s1 =	sand.u32 $0x1, s1;
	s3 =	sshll.u32 s3, $0x1  }
0x8: {  	s19 =	simm.s32 $0x12000;
	[smem:$0x7FF] =	sst s2;
	s4 =	sor.u32 s1, s3  }
0x9: {  	s3 =	sadd.s32 $0x1E00, s0;
	s5 =	sshll.u32 s4, $0xB;
	s6 =	sshll.u32 s4, $0x9  }
0xa: {  	s4 =	sadd.s32 $0x1F2400, s0;
	s10 =	sadd.s32 s5, s0;
	s0 =	sadd.s32 s6, s0  }
0xb: {  	_ =	strace $0x8000004A;
	s1 =	ssub.s32 $0x2, s1;
	s5 =	sadd.s32 $0x1EA400, s0  }
0xc: {  	s9 =	sshrl.u32 s1, $0x1;
	s6 =	sadd.s32 $0x1EE400, s0;
	s7 =	sadd.s32 $0x214E00, s10  }
0xd: {  	s1 =	ssub.s32 s1, s9;
	s8 =	sadd.s32 $0x224E00, s10;
	s9 =	sadd.s32 $0x234E00, s10  }
0xe: {  	s20 =	simm.s32 $0x0;
	s10 =	sadd.s32 $0x244E00, s10;
	s11 =	sadd.s32 $0x210E00, s0  }
0xf: {  	s12 =	smax.u32 s1, $0x1;
	s0 =	simm.s32 $0x6000;
	s1 =	simm.s32 $0xE000  }
.LBB2_1:
0x10: {  	[tilespmem:s2], [sflag:$0x3] =	stream.linear.gather [hbm4b:s5+s2], $0x1000, $0x38;
	[tilespmem:$0x13000] =	vst v63  }
0x11: {  	_ =	swait.ge [sflag:s13], $0x1000  }
0x12: {  	[sflag:s13] =	ssyncset.done $0x0  }
0x13: {  	s21 =	simm.s32 $0x1000;
	[sflag:s13] =	ssyncadd.s32 $0xFFFFF000  }
0x14: {  	[tilespmem:s21], [sflag:$0x3] =	stream.linear.gather [hbm4b:s6+s2], $0x1000, $0x38;
	[tilespmem:$0x13000] =	vst v63  }
0x15: {  	_ =	swait.ge [sflag:s13], $0x1000  }
0x16: {  	[sflag:s13] =	ssyncset.done $0x0  }
0x17: {  	[sflag:s13] =	ssyncadd.s32 $0xFFFFF000  }
0x18: {  	[tilespmem:s16], [sflag:$0x1] =	stream.indirect.gather [hbm4b:s3+s15], $0x10, s2, s15, $0xb8;
	[tilespmem:$0x13000] =	vst v63  }
0x19: {  	s22 =	simm.s32 $0x2800  }
0x1a: {  	[tilespmem:s22], [sflag:$0x1] =	stream.indirect.gather [hbm4b:s3+s15], $0x10, s15, s15, $0xb8;
	[tilespmem:$0x13000] =	vst v63  }
0x1b: {  	s23 =	simm.s32 $0x100;
	s22 =	simm.s32 $0x3000  }
0x1c: {  	[tilespmem:s22], [sflag:$0x1] =	stream.indirect.gather [hbm4b:s3+s15], $0x10, s23, s15, $0xb8;
	[tilespmem:$0x13000] =	vst v63  }
0x1d: {  	s22 =	simm.s32 $0x180;
	s23 =	simm.s32 $0x3800  }
0x1e: {  	[tilespmem:s23], [sflag:$0x1] =	stream.indirect.gather [hbm4b:s3+s15], $0x10, s22, s15, $0xb8;
	[tilespmem:$0x13000] =	vst v63  }
0x1f: {  	s22 =	simm.s32 $0x200;
	s23 =	simm.s32 $0x4000  }
0x20: {  	[tilespmem:s23], [sflag:$0x1] =	stream.indirect.gather [hbm4b:s3+s15], $0x10, s22, s15, $0xb8;
	[tilespmem:$0x13000] =	vst v63  }
0x21: {  	s22 =	simm.s32 $0x280;
	s23 =	simm.s32 $0x4800  }
0x22: {  	[tilespmem:s23], [sflag:$0x1] =	stream.indirect.gather [hbm4b:s3+s15], $0x10, s22, s15, $0xb8;
	[tilespmem:$0x13000] =	vst v63  }
0x23: {  	s22 =	simm.s32 $0x300;
	s23 =	simm.s32 $0x5000  }
0x24: {  	[tilespmem:s23], [sflag:$0x1] =	stream.indirect.gather [hbm4b:s3+s15], $0x10, s22, s15, $0xb8;
	[tilespmem:$0x13000] =	vst v63  }
0x25: {  	s22 =	simm.s32 $0x380;
	s23 =	simm.s32 $0x5800  }
0x26: {  	[tilespmem:s23], [sflag:$0x1] =	stream.indirect.gather [hbm4b:s3+s15], $0x10, s22, s15, $0xb8;
	[tilespmem:$0x13000] =	vst v63  }
0x27: {  	s23 =	simm.s32 $0x400  }
0x28: {  	[tilespmem:s0], [sflag:$0x1] =	stream.indirect.gather [hbm4b:s3+s15], $0x10, s23, s15, $0xb8;
	[tilespmem:$0x13000] =	vst v63  }
0x29: {  	s22 =	simm.s32 $0x480;
	s23 =	simm.s32 $0x6800  }
0x2a: {  	[tilespmem:s23], [sflag:$0x1] =	stream.indirect.gather [hbm4b:s3+s15], $0x10, s22, s15, $0xb8;
	[tilespmem:$0x13000] =	vst v63  }
0x2b: {  	s22 =	simm.s32 $0x500;
	s23 =	simm.s32 $0x7000  }
0x2c: {  	[tilespmem:s23], [sflag:$0x1] =	stream.indirect.gather [hbm4b:s3+s15], $0x10, s22, s15, $0xb8;
	[tilespmem:$0x13000] =	vst v63  }
0x2d: {  	s22 =	simm.s32 $0x580;
	s23 =	simm.s32 $0x7800  }
0x2e: {  	[tilespmem:s23], [sflag:$0x1] =	stream.indirect.gather [hbm4b:s3+s15], $0x10, s22, s15, $0xb8;
	[tilespmem:$0x13000] =	vst v63  }
0x2f: {  	s22 =	simm.s32 $0x600;
	s23 =	simm.s32 $0x8000  }
0x30: {  	[tilespmem:s23], [sflag:$0x1] =	stream.indirect.gather [hbm4b:s3+s15], $0x10, s22, s15, $0xb8;
	[tilespmem:$0x13000] =	vst v63  }
0x31: {  	s22 =	simm.s32 $0x680;
	s23 =	simm.s32 $0x8800  }
0x32: {  	[tilespmem:s23], [sflag:$0x1] =	stream.indirect.gather [hbm4b:s3+s15], $0x10, s22, s15, $0xb8;
	[tilespmem:$0x13000] =	vst v63  }
0x33: {  	s22 =	simm.s32 $0x700;
	s23 =	simm.s32 $0x9000  }
0x34: {  	[tilespmem:s23], [sflag:$0x1] =	stream.indirect.gather [hbm4b:s3+s15], $0x10, s22, s15, $0xb8;
	[tilespmem:$0x13000] =	vst v63  }
0x35: {  	s22 =	simm.s32 $0x780;
	s23 =	simm.s32 $0x9800  }
0x36: {  	[tilespmem:s23], [sflag:$0x1] =	stream.indirect.gather [hbm4b:s3+s15], $0x10, s22, s15, $0xb8;
	[tilespmem:$0x13000] =	vst v63  }
0x37: {  	s23 =	simm.s32 $0x800  }
0x38: {  	[tilespmem:s31], [sflag:$0x1] =	stream.indirect.gather [hbm4b:s3+s15], $0x10, s23, s15, $0xb8;
	[tilespmem:$0x13000] =	vst v63  }
0x39: {  	s22 =	simm.s32 $0x880;
	s23 =	simm.s32 $0xA800  }
0x3a: {  	[tilespmem:s23], [sflag:$0x1] =	stream.indirect.gather [hbm4b:s3+s15], $0x10, s22, s15, $0xb8;
	[tilespmem:$0x13000] =	vst v63  }
0x3b: {  	s22 =	simm.s32 $0x900;
	s23 =	simm.s32 $0xB000  }
0x3c: {  	[tilespmem:s23], [sflag:$0x1] =	stream.indirect.gather [hbm4b:s3+s15], $0x10, s22, s15, $0xb8;
	[tilespmem:$0x13000] =	vst v63  }
0x3d: {  	s22 =	simm.s32 $0x980;
	s23 =	simm.s32 $0xB800  }
0x3e: {  	[tilespmem:s23], [sflag:$0x1] =	stream.indirect.gather [hbm4b:s3+s15], $0x10, s22, s15, $0xb8;
	[tilespmem:$0x13000] =	vst v63  }
0x3f: {  	s22 =	simm.s32 $0xA00;
	s23 =	simm.s32 $0xC000  }
0x40: {  	[tilespmem:s23], [sflag:$0x1] =	stream.indirect.gather [hbm4b:s3+s15], $0x10, s22, s15, $0xb8;
	[tilespmem:$0x13000] =	vst v63  }
0x41: {  	s22 =	simm.s32 $0xA80;
	s23 =	simm.s32 $0xC800  }
0x42: {  	[tilespmem:s23], [sflag:$0x1] =	stream.indirect.gather [hbm4b:s3+s15], $0x10, s22, s15, $0xb8;
	[tilespmem:$0x13000] =	vst v63  }
0x43: {  	s22 =	simm.s32 $0xB00;
	s23 =	simm.s32 $0xD000  }
0x44: {  	[tilespmem:s23], [sflag:$0x1] =	stream.indirect.gather [hbm4b:s3+s15], $0x10, s22, s15, $0xb8;
	[tilespmem:$0x13000] =	vst v63  }
0x45: {  	s22 =	simm.s32 $0xB80;
	s23 =	simm.s32 $0xD800  }
0x46: {  	[tilespmem:s23], [sflag:$0x1] =	stream.indirect.gather [hbm4b:s3+s15], $0x10, s22, s15, $0xb8;
	[tilespmem:$0x13000] =	vst v63  }
0x47: {  	s23 =	simm.s32 $0xC00  }
0x48: {  	[tilespmem:s1], [sflag:$0x1] =	stream.indirect.gather [hbm4b:s3+s15], $0x10, s23, s15, $0xb8;
	[tilespmem:$0x13000] =	vst v63  }
0x49: {  	s22 =	simm.s32 $0xC80;
	s23 =	simm.s32 $0xE800  }
0x4a: {  	[tilespmem:s23], [sflag:$0x1] =	stream.indirect.gather [hbm4b:s3+s15], $0x10, s22, s15, $0xb8;
	[tilespmem:$0x13000] =	vst v63  }
0x4b: {  	s22 =	simm.s32 $0xD00;
	s23 =	simm.s32 $0xF000  }
0x4c: {  	[tilespmem:s23], [sflag:$0x1] =	stream.indirect.gather [hbm4b:s3+s15], $0x10, s22, s15, $0xb8;
	[tilespmem:$0x13000] =	vst v63  }
0x4d: {  	s22 =	simm.s32 $0xD80;
	s23 =	simm.s32 $0xF800  }
0x4e: {  	[tilespmem:s23], [sflag:$0x1] =	stream.indirect.gather [hbm4b:s3+s15], $0x10, s22, s15, $0xb8;
	[tilespmem:$0x13000] =	vst v63  }
0x4f: {  	s22 =	simm.s32 $0xE00;
	s23 =	simm.s32 $0x10000  }
0x50: {  	[tilespmem:s23], [sflag:$0x1] =	stream.indirect.gather [hbm4b:s3+s15], $0x10, s22, s15, $0xb8;
	[tilespmem:$0x13000] =	vst v63  }
0x51: {  	_ = 	snop  }
0x52: {  	[tilespmem:s25], [sflag:$0x1] =	stream.indirect.gather [hbm4b:s3+s15], $0x10, s24, s15, $0xb8;
	[tilespmem:$0x13000] =	vst v63  }
0x53: {  	_ = 	snop  }
0x54: {  	[tilespmem:s28], [sflag:$0x1] =	stream.indirect.gather [hbm4b:s3+s15], $0x10, s26, s15, $0xb8;
	[tilespmem:$0x13000] =	vst v63  }
0x55: {  	s21 =	simm.s32 $0x80;
	s22 =	simm.s32 $0x12000;
	s23 =	simm.s32 $0x1000  }
0x56: {  	[tilespmem:s30], [sflag:$0x1] =	stream.indirect.gather [hbm4b:s3+s15], $0x10, s29, s15, $0xb8;
	[tilespmem:$0x13000] =	vst v63  }
.LBB2_2:
0x57: {  	[tilespmem:s22], [sflag:$0x2] =	stream.indirect.gather [hbm4b:s4+s14], $0x1, s23, s14, $0xb8;
	[tilespmem:$0x13000] =	vst v63  }
0x58: {  	s22 =	smov.u32 s21;
	p0 =	sne.s32 s21, $0x3F80  }
.Ltmp0:
0x59: {  	s21 =	sadd.s32 $0x80, s21;
	(pc) =	sbr.rel @p0 .LBB2_2-.Ltmp0, $3  }
0x5a: {  	_ =	sdelay $0x1  }
0x5b: {  	s23 =	sshra.s32 s22, $0x2  }
0x5c: {  	s22 =	sadd.s32 $0x12000, s23;
	s23 =	sadd.s32 $0x1000, s23  }
0x5d: {  	[tilespmem:s22], [sflag:$0x2] =	stream.indirect.gather [hbm4b:s4+s14], $0x1, s23, s14, $0xb8;
	[tilespmem:$0x13000] =	vst v63  }
0x5e: {  	_ =	swait.ge [sflag:s17], $0x10000  }
0x5f: {  	[sflag:s17] =	ssyncset.done $0x0  }
0x60: {  	[sflag:s17] =	ssyncadd.s32 $0xFFFF0000  }
0x61: {  	_ =	swait.ge [sflag:s18], $0x1000  }
0x62: {  	[sflag:s18] =	ssyncset.done $0x0  }
0x63: {  	[sflag:s18] =	ssyncadd.s32 $0xFFFFF000  }
0x64: {  	[hbm4b:s7+s2] =	stream.linear.scatter [tilespmem:s16], [sflag:$0x3], $0x4000, $0x38;
	[tilespmem:$0x13000] =	vst v63  }
0x65: {  	_ =	swait.ge [sflag:s13], $0x4000  }
0x66: {  	[sflag:s13] =	ssyncset.done $0x0  }
0x67: {  	[sflag:s13] =	ssyncadd.s32 $0xFFFFC000  }
0x68: {  	[hbm4b:s8+s2] =	stream.linear.scatter [tilespmem:s0], [sflag:$0x3], $0x4000, $0x38;
	[tilespmem:$0x13000] =	vst v63  }
0x69: {  	_ =	swait.ge [sflag:s13], $0x4000  }
0x6a: {  	[sflag:s13] =	ssyncset.done $0x0  }
0x6b: {  	[sflag:s13] =	ssyncadd.s32 $0xFFFFC000  }
0x6c: {  	[hbm4b:s9+s2] =	stream.linear.scatter [tilespmem:s31], [sflag:$0x3], $0x4000, $0x38;
	[tilespmem:$0x13000] =	vst v63  }
0x6d: {  	_ =	swait.ge [sflag:s13], $0x4000  }
0x6e: {  	[sflag:s13] =	ssyncset.done $0x0  }
0x6f: {  	[sflag:s13] =	ssyncadd.s32 $0xFFFFC000  }
0x70: {  	[hbm4b:s10+s2] =	stream.linear.scatter [tilespmem:s1], [sflag:$0x3], $0x4000, $0x38;
	[tilespmem:$0x13000] =	vst v63  }
0x71: {  	s20 =	sadd.s32 $0x1, s20;
	_ =	swait.ge [sflag:s13], $0x4000  }
0x72: {  	p0 =	sne.s32 s20, s12;
	[sflag:s13] =	ssyncset.done $0x0  }
.Ltmp1:
0x73: {  	[sflag:s13] =	ssyncadd.s32 $0xFFFFC000;
	(pc) =	sbr.rel @p0 .LBB2_1-.Ltmp1, $4  }
0x74: {  	[hbm4b:s11+s2] =	stream.linear.scatter [tilespmem:s19], [sflag:$0x3], $0x1000, $0x38;
	[tilespmem:$0x13000] =	vst v63  }
0x75: {  	_ =	swait.ge [sflag:s13], $0x1000  }
0x76: {  	[sflag:s13] =	ssyncset.done $0x0  }
0x77: {  	[sflag:s13] =	ssyncadd.s32 $0xFFFFF000  }
0x78: {  	_ =	sfence.sel $0x180000  }
0x79: {  	[bflag:$0x0] =	sbarrier.arrive $0xFFFF  }
0x7a: {  	_ =	strace $0x9000004A  }
0x7b: {  	s0 =	stileid.u32;
	[bflag:$0x2] =	sbarrier.arrive $0xFFFF  }
0x7c: {  	p0 =	sne.s32 s0, $0x0;
	s0 =	rddreg [dreg:$0x1]  }
0x7d: {  	s0 =	sadd.s32 @!p0 $0x100000, s0  }
0x7e: {  	[sflag:s0] =	ssyncadd.tile.s32 @!p0 $0x1;
	_ =	shalt  }
.Lfunc_end2:
_tile_overlayer_lowered:
.L_overlay_start_2:
0x7f: {  	(tag) =	ssettag $0x2  }
0x80: {  	s0 =	rddreg [dreg:$0x0];
	s2 =	stileid.u32  }
0x81: {  	s1 =	rddreg [dreg:$0x1];
	p0 =	sne.s32 s2, $0x0  }
0x82: {  	s3 =	rddreg [dreg:$0x2];
	[bflag:$0x3] =	sbarrier.arrive $0xFFFF;
	s2 =	simm.s32 @!p0 $0x1C03  }
0x83: {  	[timem:s3], [sflag:s2] =	dma.local @!p0 [hbm:s0], s1  }
0x84: {  	s0 =	simm.s32 @!p0 $0x3  }
0x85: {  	_ =	swait.ge @!p0 [sflag:s0], s1  }
0x86: {  	s1 =	ssub.s32 @!p0 $0x0, s1;
	[sflag:s0] =	ssyncset.done @!p0 $0x0  }
0x87: {  	[sflag:s0] =	ssyncadd.s32 @!p0 s1  }
0x88: {  	[bflag:$0x3] =	sbarrier.arrive $0xFFFF  }
0x89: {  	_ =	shalt  }

</sc_bundles>
